<compile_context>
chip_gen: v7x
topology: tpu7x:2x2x1
jax: 0.10.2.dev20260603
libtpu: 0.0.44.dev20260713+nightly
codegen_flags: <defaults>
</compile_context>

<pallas_src>
import functools

import jax
import jax.numpy as jnp
from jax import lax
from jax.experimental import pallas as pl
from jax.experimental.pallas import tpu as pltpu
from jax.experimental.pallas import tpu_sc as plsc

_B = 4096
_S = 200
_D = 128
_NW = 32
_ROWS = _B * _S
_RPW = _ROWS // _NW
_C = 80
_NCH = _RPW // _C
_LANES = 16
_NBUF = 5
_LOOK = 3

_OFFS = [(t * _C) % _S for t in range(_NBUF)]
_SE = max(_OFFS) + _C

assert _RPW % _C == 0 and _C % 8 == 0 and _C <= 128
assert (_NBUF * _C) % _S == 0 and _NCH % _NBUF == 0
assert 2 <= _NBUF - _LOOK


def _sc_embed(ids2d, table, pos_ext):
    mesh = plsc.VectorSubcoreMesh(core_axis_name="c", subcore_axis_name="s")

    @functools.partial(
        pl.kernel,
        out_type=jax.ShapeDtypeStruct((_ROWS, _D), jnp.float32),
        mesh=mesh,
        scratch_types=[
            pltpu.VMEM((_NCH, _C), jnp.int32),
            pltpu.VMEM((_SE, _D), jnp.float32),
        ]
        + [pltpu.VMEM((_C, _D), jnp.float32) for _ in range(_NBUF)]
        + [pltpu.SemaphoreType.DMA for _ in range(2 * _NBUF)],
    )
    def k(ids_hbm, table_hbm, pos_hbm, out_hbm, idx_v, pos_v, *bufs_sems):
        rows = bufs_sems[:_NBUF]
        gsem = bufs_sems[_NBUF : 2 * _NBUF]
        osem = bufs_sems[2 * _NBUF :]

        cid = lax.axis_index("c")
        sid = lax.axis_index("s")
        wid = sid * 2 + cid
        base_row = wid * _RPW
        idx_base = wid * _NCH

        pltpu.sync_copy(pos_hbm, pos_v)
        pltpu.sync_copy(ids_hbm.at[pl.ds(idx_base, _NCH)], idx_v)

        def g_start(j, t):
            pltpu.async_copy(table_hbm.at[idx_v.at[j]], rows[t], gsem[t])

        def g_wait(t):
            pltpu.make_async_copy(
                table_hbm.at[idx_v.at[0]], rows[t], gsem[t]
            ).wait()

        def o_start(j, t):
            pltpu.async_copy(
                rows[t], out_hbm.at[pl.ds(base_row + j * _C, _C)], osem[t]
            )

        def o_wait(t):
            pltpu.make_async_copy(
                rows[t], out_hbm.at[pl.ds(base_row, _C)], osem[t]
            ).wait()

        def add_rows(t, off):
            def row_body(r, c2):
                rr = r * 2
                for u in range(2):
                    for cc in range(_D // _LANES):
                        sl = pl.ds(cc * _LANES, _LANES)
                        plsc.addupdate(
                            rows[t].at[rr + u, sl], pos_v[off + rr + u, sl]
                        )
                return c2

            lax.fori_loop(0, _C // 2, row_body, 0)

        for t in range(_LOOK):
            g_start(t, t)

        def body(i, carry):
            for t in range(_NBUF):
                j = i * _NBUF + t
                t2 = (t + _LOOK) % _NBUF
                g_wait(t)
                add_rows(t, _OFFS[t])
                o_start(j, t)

                @pl.when(j >= _NBUF - _LOOK)
                def _():
                    o_wait(t2)

                @pl.when(j + _LOOK < _NCH)
                def _():
                    g_start(j + _LOOK, t2)

            return carry

        lax.fori_loop(0, _NCH // _NBUF, body, 0)
        for j in range(_NCH - (_NBUF - _LOOK), _NCH):
            o_wait(j % _NBUF)

    return k(ids2d, table, pos_ext)


def kernel(input_ids, lin_embed_weight, pos_embed):
    ids2d = input_ids.reshape(_ROWS // _C, _C).astype(jnp.int32)
    pos2d = pos_embed.reshape(_S, _D)
    pos_ext = jnp.concatenate([pos2d, pos2d[: _SE - _S]], axis=0)
    out = _sc_embed(ids2d, lin_embed_weight, pos_ext)
    return out.reshape(_B, _S, _D)

# --- scband reference (transcript-rebuilt; emitter-appended) ---
"""Pipeline reference for scband-embeddings-16655883174037 (READ-ONLY COPY).

The authoritative reference and input builder live on the scoring server;
editing this copy changes nothing except your own understanding.
"""

import jax, jax.numpy as jnp
import numpy as np

VOCAB = 1000000
EMBED_DIM = 128
MAX_SEQ_LEN = 200
BATCH = 4096

def make_pos_embed(max_seq_len, embed_dim):
    pos = np.arange(0, max_seq_len, dtype=np.float32).reshape(-1, 1)
    i = np.arange(0, embed_dim, 2, dtype=np.float32)
    enc = np.zeros((max_seq_len, embed_dim), dtype=np.float32)
    enc[:, 0::2] = np.sin(pos / 10000.0 ** (2.0 * i / embed_dim))
    enc[:, 1::2] = np.cos(pos / 10000.0 ** (2.0 * i / embed_dim))
    return jnp.asarray(enc)[None, :, :]  # [1, max_seq_len, embed_dim]

def setup_inputs(seed: int = 0) -> dict:
    key = jax.random.key(seed)
    k_idx, k_tab = jax.random.split(key)
    input_ids = jax.random.randint(k_idx, (BATCH, MAX_SEQ_LEN), 0, VOCAB, dtype=jnp.int64 if jax.config.read('jax_enable_x64') else jnp.int32)
    lin_embed_weight = jax.random.normal(k_tab, (VOCAB, EMBED_DIM), dtype=jnp.float32)
    pos_embed = make_pos_embed(MAX_SEQ_LEN, EMBED_DIM)
    return {"input_ids": input_ids, "lin_embed_weight": lin_embed_weight, "pos_embed": pos_embed}

def reference(input_ids, lin_embed_weight, pos_embed):
    lin = jnp.take(lin_embed_weight, input_ids, axis=0)  # [B, S, D]
    return lin + pos_embed

if __name__ == "__main__":
    import jax
    _d = setup_inputs()
    print(jax.jit(kernel)(*tuple(_d.values())))

</pallas_src>

<mosaic_0001>
#map = affine_map<(d0, d1) -> (0, 0)>
module attributes {stable_mosaic.version = 14 : i64} {
  func.func @k(%arg0: i32, %arg1: i32, %arg2: memref<10240x80xi32, #tpu.memory_space<hbm>>, %arg3: memref<1000000x128xf32, #tpu.memory_space<hbm>>, %arg4: memref<240x128xf32, #tpu.memory_space<hbm>>, %arg5: memref<819200x128xf32, #tpu.memory_space<hbm>>, %arg6: memref<320x80xi32, #tpu.memory_space<vmem>>, %arg7: memref<240x128xf32, #tpu.memory_space<vmem>>, %arg8: memref<80x128xf32, #tpu.memory_space<vmem>>, %arg9: memref<80x128xf32, #tpu.memory_space<vmem>>, %arg10: memref<80x128xf32, #tpu.memory_space<vmem>>, %arg11: memref<80x128xf32, #tpu.memory_space<vmem>>, %arg12: memref<80x128xf32, #tpu.memory_space<vmem>>, %arg13: memref<!tpu.dma_semaphore, #tpu.memory_space<semaphore_mem>>, %arg14: memref<!tpu.dma_semaphore, #tpu.memory_space<semaphore_mem>>, %arg15: memref<!tpu.dma_semaphore, #tpu.memory_space<semaphore_mem>>, %arg16: memref<!tpu.dma_semaphore, #tpu.memory_space<semaphore_mem>>, %arg17: memref<!tpu.dma_semaphore, #tpu.memory_space<semaphore_mem>>, %arg18: memref<!tpu.dma_semaphore, #tpu.memory_space<semaphore_mem>>, %arg19: memref<!tpu.dma_semaphore, #tpu.memory_space<semaphore_mem>>, %arg20: memref<!tpu.dma_semaphore, #tpu.memory_space<semaphore_mem>>, %arg21: memref<!tpu.dma_semaphore, #tpu.memory_space<semaphore_mem>>, %arg22: memref<!tpu.dma_semaphore, #tpu.memory_space<semaphore_mem>>) attributes {dimension_semantics = [#tpu.dimension_semantics<core_parallel>, #tpu.dimension_semantics<subcore_parallel>], iteration_bounds = array<i64: 2, 16>, scalar_prefetch = 0 : i64, scratch_operands = 17 : i64, tpu.core_type = #tpu.core_type<sc_vector_subcore>, window_params = [{transform_indices = #map}, {transform_indices = #map}, {transform_indices = #map}, {transform_indices = #map}]} {
    %mul3A = arith.constant 2 : i32
    %mul3A_0 = arith.muli %arg1, %mul3A : i32
    %add3A = arith.addi %mul3A_0, %arg0 : i32
    %mul3A_1 = arith.constant 25600 : i32
    %mul3A_2 = arith.muli %add3A, %mul3A_1 : i32
    %mul3A_3 = arith.constant 320 : i32
    %mul3A_4 = arith.muli %add3A, %mul3A_3 : i32
    "tpu.region"() ({
      %run_scoped3A = tpu.sem_alloc : memref<!tpu.dma_semaphore, #tpu.memory_space<semaphore_mem>>
      tpu.enqueue_dma source(%arg4 : memref<240x128xf32, #tpu.memory_space<hbm>>) target(%arg7 : memref<240x128xf32, #tpu.memory_space<vmem>>) target_semaphore(%run_scoped3A : memref<!tpu.dma_semaphore, #tpu.memory_space<semaphore_mem>>)
      tpu.wait_dma2 semaphore(%run_scoped3A : memref<!tpu.dma_semaphore, #tpu.memory_space<semaphore_mem>>) src(%arg4 : memref<240x128xf32, #tpu.memory_space<hbm>>) dst(%arg7 : memref<240x128xf32, #tpu.memory_space<vmem>>)
      tpu.yield
    }) : () -> ()
    "tpu.region"() ({
      %run_scoped3A = tpu.sem_alloc : memref<!tpu.dma_semaphore, #tpu.memory_space<semaphore_mem>>
      %dma_start3A_37 = arith.constant 0 : i32
      %dma_start3A_38 = tpu.memref_slice %arg2[%mul3A_4, %dma_start3A_37] : memref<10240x80xi32, #tpu.memory_space<hbm>> -> memref<320x80xi32, #tpu.memory_space<hbm>>
      %dma_start3A_39 = arith.constant 0 : i32
      %dma_start3A_40 = tpu.memref_slice %arg2[%mul3A_4, %dma_start3A_39] : memref<10240x80xi32, #tpu.memory_space<hbm>> -> memref<320x80xi32, #tpu.memory_space<hbm>>
      tpu.enqueue_dma source(%dma_start3A_40 : memref<320x80xi32, #tpu.memory_space<hbm>>) target(%arg6 : memref<320x80xi32, #tpu.memory_space<vmem>>) target_semaphore(%run_scoped3A : memref<!tpu.dma_semaphore, #tpu.memory_space<semaphore_mem>>)
      %dma_wait3A_41 = arith.constant 0 : i32
      %dma_wait3A_42 = tpu.memref_slice %arg2[%mul3A_4, %dma_wait3A_41] : memref<10240x80xi32, #tpu.memory_space<hbm>> -> memref<320x80xi32, #tpu.memory_space<hbm>>
      %dma_wait3A_43 = arith.constant 0 : i32
      %dma_wait3A_44 = tpu.memref_slice %arg2[%mul3A_4, %dma_wait3A_43] : memref<10240x80xi32, #tpu.memory_space<hbm>> -> memref<320x80xi32, #tpu.memory_space<hbm>>
      tpu.wait_dma2 semaphore(%run_scoped3A : memref<!tpu.dma_semaphore, #tpu.memory_space<semaphore_mem>>) src(%dma_wait3A_44 : memref<320x80xi32, #tpu.memory_space<hbm>>) dst(%arg6 : memref<320x80xi32, #tpu.memory_space<vmem>>)
      tpu.yield
    }) : () -> ()
    %dma_start3A = arith.constant 0 : i32
    %dma_start3A_5 = arith.constant 0 : i32
    %dma_start3A_6 = tpu.memref_slice %arg6[%dma_start3A, %dma_start3A_5] : memref<320x80xi32, #tpu.memory_space<vmem>> -> memref<1x80xi32, #tpu.memory_space<vmem>>
    %dma_start3A_7 = tpu.memref_squeeze %dma_start3A_6 : memref<1x80xi32, #tpu.memory_space<vmem>> -> memref<80xi32, #tpu.memory_space<vmem>>
    %dma_start3A_8 = arith.constant 0 : i32
    %dma_start3A_9 = arith.constant 0 : i32
    %dma_start3A_10 = tpu.memref_slice %arg3[%dma_start3A_8, %dma_start3A_9] : memref<1000000x128xf32, #tpu.memory_space<hbm>> -> memref<1000000x128xf32, #tpu.memory_space<hbm>>
    tpu.enqueue_indirect_dma source(%dma_start3A_10 : memref<1000000x128xf32, #tpu.memory_space<hbm>>) target(%arg8 : memref<80x128xf32, #tpu.memory_space<vmem>>) offsets(%dma_start3A_7 : memref<80xi32, #tpu.memory_space<vmem>>) semaphore(%arg13 : memref<!tpu.dma_semaphore, #tpu.memory_space<semaphore_mem>>)
    %dma_start3A_11 = arith.constant 1 : i32
    %dma_start3A_12 = arith.constant 0 : i32
    %dma_start3A_13 = tpu.memref_slice %arg6[%dma_start3A_11, %dma_start3A_12] : memref<320x80xi32, #tpu.memory_space<vmem>> -> memref<1x80xi32, #tpu.memory_space<vmem>>
    %dma_start3A_14 = tpu.memref_squeeze %dma_start3A_13 : memref<1x80xi32, #tpu.memory_space<vmem>> -> memref<80xi32, #tpu.memory_space<vmem>>
    %dma_start3A_15 = arith.constant 0 : i32
    %dma_start3A_16 = arith.constant 0 : i32
    %dma_start3A_17 = tpu.memref_slice %arg3[%dma_start3A_15, %dma_start3A_16] : memref<1000000x128xf32, #tpu.memory_space<hbm>> -> memref<1000000x128xf32, #tpu.memory_space<hbm>>
    tpu.enqueue_indirect_dma source(%dma_start3A_17 : memref<1000000x128xf32, #tpu.memory_space<hbm>>) target(%arg9 : memref<80x128xf32, #tpu.memory_space<vmem>>) offsets(%dma_start3A_14 : memref<80xi32, #tpu.memory_space<vmem>>) semaphore(%arg14 : memref<!tpu.dma_semaphore, #tpu.memory_space<semaphore_mem>>)
    %dma_start3A_18 = arith.constant 2 : i32
    %dma_start3A_19 = arith.constant 0 : i32
    %dma_start3A_20 = tpu.memref_slice %arg6[%dma_start3A_18, %dma_start3A_19] : memref<320x80xi32, #tpu.memory_space<vmem>> -> memref<1x80xi32, #tpu.memory_space<vmem>>
    %dma_start3A_21 = tpu.memref_squeeze %dma_start3A_20 : memref<1x80xi32, #tpu.memory_space<vmem>> -> memref<80xi32, #tpu.memory_space<vmem>>
    %dma_start3A_22 = arith.constant 0 : i32
    %dma_start3A_23 = arith.constant 0 : i32
    %dma_start3A_24 = tpu.memref_slice %arg3[%dma_start3A_22, %dma_start3A_23] : memref<1000000x128xf32, #tpu.memory_space<hbm>> -> memref<1000000x128xf32, #tpu.memory_space<hbm>>
    tpu.enqueue_indirect_dma source(%dma_start3A_24 : memref<1000000x128xf32, #tpu.memory_space<hbm>>) target(%arg10 : memref<80x128xf32, #tpu.memory_space<vmem>>) offsets(%dma_start3A_21 : memref<80xi32, #tpu.memory_space<vmem>>) semaphore(%arg15 : memref<!tpu.dma_semaphore, #tpu.memory_space<semaphore_mem>>)
    %scan3A = arith.constant 0 : i32
    %scan3A_25 = arith.constant 0 : i32
    %scan3A_26 = arith.constant 64 : i32
    %scan3A_27 = arith.addi %scan3A_25, %scan3A_26 : i32
    %scan3A_28 = arith.constant 1 : i32
    scf.for %scan3A_37 = %scan3A_25 to %scan3A_27 step %scan3A_28  : i32 {
      %mul3A_38 = arith.constant 5 : i32
      %mul3A_39 = arith.muli %scan3A_37, %mul3A_38 : i32
      %add3A_40 = arith.constant 0 : i32
      %add3A_41 = arith.addi %mul3A_39, %add3A_40 : i32
      %dma_wait3A_42 = arith.constant 0 : i32
      %dma_wait3A_43 = arith.constant 0 : i32
      %dma_wait3A_44 = tpu.memref_slice %arg6[%dma_wait3A_42, %dma_wait3A_43] : memref<320x80xi32, #tpu.memory_space<vmem>> -> memref<1x80xi32, #tpu.memory_space<vmem>>
      %dma_wait3A_45 = tpu.memref_squeeze %dma_wait3A_44 : memref<1x80xi32, #tpu.memory_space<vmem>> -> memref<80xi32, #tpu.memory_space<vmem>>
      %dma_wait3A_46 = arith.constant 0 : i32
      %dma_wait3A_47 = arith.constant 0 : i32
      %dma_wait3A_48 = tpu.memref_slice %arg3[%dma_wait3A_46, %dma_wait3A_47] : memref<1000000x128xf32, #tpu.memory_space<hbm>> -> memref<1000000x128xf32, #tpu.memory_space<hbm>>
      tpu.wait_indirect_dma semaphore(%arg13 : memref<!tpu.dma_semaphore, #tpu.memory_space<semaphore_mem>>) src(%dma_wait3A_48 : memref<1000000x128xf32, #tpu.memory_space<hbm>>) dst(%arg8 : memref<80x128xf32, #tpu.memory_space<vmem>>)
      %scan3A_49 = arith.constant 0 : i32
      %scan3A_50 = arith.constant 0 : i32
      %scan3A_51 = arith.constant 40 : i32
      %scan3A_52 = arith.addi %scan3A_50, %scan3A_51 : i32
      %scan3A_53 = arith.constant 1 : i32
      scf.for %scan3A_214 = %scan3A_50 to %scan3A_52 step %scan3A_53  : i32 {
        %mul3A_215 = arith.constant 2 : i32
        %mul3A_216 = arith.muli %scan3A_214, %mul3A_215 : i32
        %add3A_217 = arith.constant 0 : i32
        %add3A_218 = arith.addi %mul3A_216, %add3A_217 : i32
        %add3A_219 = arith.constant 0 : i32
        %add3A_220 = arith.addi %add3A_219, %mul3A_216 : i32
        %add3A_221 = arith.constant 0 : i32
        %add3A_222 = arith.addi %add3A_220, %add3A_221 : i32
        %get3A = arith.index_cast %add3A_222 : i32 to index
        %get3A_223 = arith.constant 0 : index
        %get3A_224 = tpu.vector_load %arg7[%get3A, %get3A_223] {strides = array<i32>} : memref<240x128xf32, #tpu.memory_space<vmem>>, vector<1x16xf32>,
        %get3A_225 = vector.shape_cast %get3A_224 : vector<1x16xf32> to vector<16xf32>
        %swap3A = arith.index_cast %add3A_218 : i32 to index
        %swap3A_226 = arith.constant 0 : index
        %swap3A_227 = tpu.vector_load %arg8[%swap3A, %swap3A_226] {strides = array<i32>} : memref<80x128xf32, #tpu.memory_space<vmem>>, vector<1x16xf32>,
        %swap3A_228 = vector.shape_cast %swap3A_227 : vector<1x16xf32> to vector<16xf32>
        %swap3A_229 = vector.shape_cast %get3A_225 : vector<16xf32> to vector<1x16xf32>
        tpu.vector_store %arg8[%swap3A, %swap3A_226], %swap3A_229 {add = true, strides = array<i32>} : memref<80x128xf32, #tpu.memory_space<vmem>>, vector<1x16xf32>,
        %add3A_230 = arith.constant 0 : i32
        %add3A_231 = arith.addi %mul3A_216, %add3A_230 : i32
        %add3A_232 = arith.constant 0 : i32
        %add3A_233 = arith.addi %add3A_232, %mul3A_216 : i32
        %add3A_234 = arith.constant 0 : i32
        %add3A_235 = arith.addi %add3A_233, %add3A_234 : i32
        %get3A_236 = arith.index_cast %add3A_235 : i32 to index
        %get3A_237 = arith.constant 16 : index
        %get3A_238 = tpu.vector_load %arg7[%get3A_236, %get3A_237] {strides = array<i32>} : memref<240x128xf32, #tpu.memory_space<vmem>>, vector<1x16xf32>,
        %get3A_239 = vector.shape_cast %get3A_238 : vector<1x16xf32> to vector<16xf32>
        %swap3A_240 = arith.index_cast %add3A_231 : i32 to index
        %swap3A_241 = arith.constant 16 : index
        %swap3A_242 = tpu.vector_load %arg8[%swap3A_240, %swap3A_241] {strides = array<i32>} : memref<80x128xf32, #tpu.memory_space<vmem>>, vector<1x16xf32>,
        %swap3A_243 = vector.shape_cast %swap3A_242 : vector<1x16xf32> to vector<16xf32>
        %swap3A_244 = vector.shape_cast %get3A_239 : vector<16xf32> to vector<1x16xf32>
        tpu.vector_store %arg8[%swap3A_240, %swap3A_241], %swap3A_244 {add = true, strides = array<i32>} : memref<80x128xf32, #tpu.memory_space<vmem>>, vector<1x16xf32>,
        %add3A_245 = arith.constant 0 : i32
        %add3A_246 = arith.addi %mul3A_216, %add3A_245 : i32
        %add3A_247 = arith.constant 0 : i32
        %add3A_248 = arith.addi %add3A_247, %mul3A_216 : i32
        %add3A_249 = arith.constant 0 : i32
        %add3A_250 = arith.addi %add3A_248, %add3A_249 : i32
        %get3A_251 = arith.index_cast %add3A_250 : i32 to index
        %get3A_252 = arith.constant 32 : index
        %get3A_253 = tpu.vector_load %arg7[%get3A_251, %get3A_252] {strides = array<i32>} : memref<240x128xf32, #tpu.memory_space<vmem>>, vector<1x16xf32>,
        %get3A_254 = vector.shape_cast %get3A_253 : vector<1x16xf32> to vector<16xf32>
        %swap3A_255 = arith.index_cast %add3A_246 : i32 to index
        %swap3A_256 = arith.constant 32 : index
        %swap3A_257 = tpu.vector_load %arg8[%swap3A_255, %swap3A_256] {strides = array<i32>} : memref<80x128xf32, #tpu.memory_space<vmem>>, vector<1x16xf32>,
        %swap3A_258 = vector.shape_cast %swap3A_257 : vector<1x16xf32> to vector<16xf32>
        %swap3A_259 = vector.shape_cast %get3A_254 : vector<16xf32> to vector<1x16xf32>
        tpu.vector_store %arg8[%swap3A_255, %swap3A_256], %swap3A_259 {add = true, strides = array<i32>} : memref<80x128xf32, #tpu.memory_space<vmem>>, vector<1x16xf32>,
        %add3A_260 = arith.constant 0 : i32
        %add3A_261 = arith.addi %mul3A_216, %add3A_260 : i32
        %add3A_262 = arith.constant 0 : i32
        %add3A_263 = arith.addi %add3A_262, %mul3A_216 : i32
        %add3A_264 = arith.constant 0 : i32
        %add3A_265 = arith.addi %add3A_263, %add3A_264 : i32
        %get3A_266 = arith.index_cast %add3A_265 : i32 to index
        %get3A_267 = arith.constant 48 : index
        %get3A_268 = tpu.vector_load %arg7[%get3A_266, %get3A_267] {strides = array<i32>} : memref<240x128xf32, #tpu.memory_space<vmem>>, vector<1x16xf32>,
        %get3A_269 = vector.shape_cast %get3A_268 : vector<1x16xf32> to vector<16xf32>
        %swap3A_270 = arith.index_cast %add3A_261 : i32 to index
        %swap3A_271 = arith.constant 48 : index
        %swap3A_272 = tpu.vector_load %arg8[%swap3A_270, %swap3A_271] {strides = array<i32>} : memref<80x128xf32, #tpu.memory_space<vmem>>, vector<1x16xf32>,
        %swap3A_273 = vector.shape_cast %swap3A_272 : vector<1x16xf32> to vector<16xf32>
        %swap3A_274 = vector.shape_cast %get3A_269 : vector<16xf32> to vector<1x16xf32>
        tpu.vector_store %arg8[%swap3A_270, %swap3A_271], %swap3A_274 {add = true, strides = array<i32>} : memref<80x128xf32, #tpu.memory_space<vmem>>, vector<1x16xf32>,
        %add3A_275 = arith.constant 0 : i32
        %add3A_276 = arith.addi %mul3A_216, %add3A_275 : i32
        %add3A_277 = arith.constant 0 : i32
        %add3A_278 = arith.addi %add3A_277, %mul3A_216 : i32
        %add3A_279 = arith.constant 0 : i32
        %add3A_280 = arith.addi %add3A_278, %add3A_279 : i32
        %get3A_281 = arith.index_cast %add3A_280 : i32 to index
        %get3A_282 = arith.constant 64 : index
        %get3A_283 = tpu.vector_load %arg7[%get3A_281, %get3A_282] {strides = array<i32>} : memref<240x128xf32, #tpu.memory_space<vmem>>, vector<1x16xf32>,
        %get3A_284 = vector.shape_cast %get3A_283 : vector<1x16xf32> to vector<16xf32>
        %swap3A_285 = arith.index_cast %add3A_276 : i32 to index
        %swap3A_286 = arith.constant 64 : index
        %swap3A_287 = tpu.vector_load %arg8[%swap3A_285, %swap3A_286] {strides = array<i32>} : memref<80x128xf32, #tpu.memory_space<vmem>>, vector<1x16xf32>,
        %swap3A_288 = vector.shape_cast %swap3A_287 : vector<1x16xf32> to vector<16xf32>
        %swap3A_289 = vector.shape_cast %get3A_284 : vector<16xf32> to vector<1x16xf32>
        tpu.vector_store %arg8[%swap3A_285, %swap3A_286], %swap3A_289 {add = true, strides = array<i32>} : memref<80x128xf32, #tpu.memory_space<vmem>>, vector<1x16xf32>,
        %add3A_290 = arith.constant 0 : i32
        %add3A_291 = arith.addi %mul3A_216, %add3A_290 : i32
        %add3A_292 = arith.constant 0 : i32
        %add3A_293 = arith.addi %add3A_292, %mul3A_216 : i32
        %add3A_294 = arith.constant 0 : i32
        %add3A_295 = arith.addi %add3A_293, %add3A_294 : i32
        %get3A_296 = arith.index_cast %add3A_295 : i32 to index
        %get3A_297 = arith.constant 80 : index
        %get3A_298 = tpu.vector_load %arg7[%get3A_296, %get3A_297] {strides = array<i32>} : memref<240x128xf32, #tpu.memory_space<vmem>>, vector<1x16xf32>,
        %get3A_299 = vector.shape_cast %get3A_298 : vector<1x16xf32> to vector<16xf32>
        %swap3A_300 = arith.index_cast %add3A_291 : i32 to index
        %swap3A_301 = arith.constant 80 : index
        %swap3A_302 = tpu.vector_load %arg8[%swap3A_300, %swap3A_301] {strides = array<i32>} : memref<80x128xf32, #tpu.memory_space<vmem>>, vector<1x16xf32>,
        %swap3A_303 = vector.shape_cast %swap3A_302 : vector<1x16xf32> to vector<16xf32>
        %swap3A_304 = vector.shape_cast %get3A_299 : vector<16xf32> to vector<1x16xf32>
        tpu.vector_store %arg8[%swap3A_300, %swap3A_301], %swap3A_304 {add = true, strides = array<i32>} : memref<80x128xf32, #tpu.memory_space<vmem>>, vector<1x16xf32>,
        %add3A_305 = arith.constant 0 : i32
        %add3A_306 = arith.addi %mul3A_216, %add3A_305 : i32
        %add3A_307 = arith.constant 0 : i32
        %add3A_308 = arith.addi %add3A_307, %mul3A_216 : i32
        %add3A_309 = arith.constant 0 : i32
        %add3A_310 = arith.addi %add3A_308, %add3A_309 : i32
        %get3A_311 = arith.index_cast %add3A_310 : i32 to index
        %get3A_312 = arith.constant 96 : index
        %get3A_313 = tpu.vector_load %arg7[%get3A_311, %get3A_312] {strides = array<i32>} : memref<240x128xf32, #tpu.memory_space<vmem>>, vector<1x16xf32>,
        %get3A_314 = vector.shape_cast %get3A_313 : vector<1x16xf32> to vector<16xf32>
        %swap3A_315 = arith.index_cast %add3A_306 : i32 to index
        %swap3A_316 = arith.constant 96 : index
        %swap3A_317 = tpu.vector_load %arg8[%swap3A_315, %swap3A_316] {strides = array<i32>} : memref<80x128xf32, #tpu.memory_space<vmem>>, vector<1x16xf32>,
        %swap3A_318 = vector.shape_cast %swap3A_317 : vector<1x16xf32> to vector<16xf32>
        %swap3A_319 = vector.shape_cast %get3A_314 : vector<16xf32> to vector<1x16xf32>
        tpu.vector_store %arg8[%swap3A_315, %swap3A_316], %swap3A_319 {add = true, strides = array<i32>} : memref<80x128xf32, #tpu.memory_space<vmem>>, vector<1x16xf32>,
        %add3A_320 = arith.constant 0 : i32
        %add3A_321 = arith.addi %mul3A_216, %add3A_320 : i32
        %add3A_322 = arith.constant 0 : i32
        %add3A_323 = arith.addi %add3A_322, %mul3A_216 : i32
        %add3A_324 = arith.constant 0 : i32
        %add3A_325 = arith.addi %add3A_323, %add3A_324 : i32
        %get3A_326 = arith.index_cast %add3A_325 : i32 to index
        %get3A_327 = arith.constant 112 : index
        %get3A_328 = tpu.vector_load %arg7[%get3A_326, %get3A_327] {strides = array<i32>} : memref<240x128xf32, #tpu.memory_space<vmem>>, vector<1x16xf32>,
        %get3A_329 = vector.shape_cast %get3A_328 : vector<1x16xf32> to vector<16xf32>
        %swap3A_330 = arith.index_cast %add3A_321 : i32 to index
        %swap3A_331 = arith.constant 112 : index
        %swap3A_332 = tpu.vector_load %arg8[%swap3A_330, %swap3A_331] {strides = array<i32>} : memref<80x128xf32, #tpu.memory_space<vmem>>, vector<1x16xf32>,
        %swap3A_333 = vector.shape_cast %swap3A_332 : vector<1x16xf32> to vector<16xf32>
        %swap3A_334 = vector.shape_cast %get3A_329 : vector<16xf32> to vector<1x16xf32>
        tpu.vector_store %arg8[%swap3A_330, %swap3A_331], %swap3A_334 {add = true, strides = array<i32>} : memref<80x128xf32, #tpu.memory_space<vmem>>, vector<1x16xf32>,
        %add3A_335 = arith.constant 1 : i32
        %add3A_336 = arith.addi %mul3A_216, %add3A_335 : i32
        %add3A_337 = arith.constant 0 : i32
        %add3A_338 = arith.addi %add3A_337, %mul3A_216 : i32
        %add3A_339 = arith.constant 1 : i32
        %add3A_340 = arith.addi %add3A_338, %add3A_339 : i32
        %get3A_341 = arith.index_cast %add3A_340 : i32 to index
        %get3A_342 = arith.constant 0 : index
        %get3A_343 = tpu.vector_load %arg7[%get3A_341, %get3A_342] {strides = array<i32>} : memref<240x128xf32, #tpu.memory_space<vmem>>, vector<1x16xf32>,
        %get3A_344 = vector.shape_cast %get3A_343 : vector<1x16xf32> to vector<16xf32>
        %swap3A_345 = arith.index_cast %add3A_336 : i32 to index
        %swap3A_346 = arith.constant 0 : index
        %swap3A_347 = tpu.vector_load %arg8[%swap3A_345, %swap3A_346] {strides = array<i32>} : memref<80x128xf32, #tpu.memory_space<vmem>>, vector<1x16xf32>,
        %swap3A_348 = vector.shape_cast %swap3A_347 : vector<1x16xf32> to vector<16xf32>
        %swap3A_349 = vector.shape_cast %get3A_344 : vector<16xf32> to vector<1x16xf32>
        tpu.vector_store %arg8[%swap3A_345, %swap3A_346], %swap3A_349 {add = true, strides = array<i32>} : memref<80x128xf32, #tpu.memory_space<vmem>>, vector<1x16xf32>,
        %add3A_350 = arith.constant 1 : i32
        %add3A_351 = arith.addi %mul3A_216, %add3A_350 : i32
        %add3A_352 = arith.constant 0 : i32
        %add3A_353 = arith.addi %add3A_352, %mul3A_216 : i32
        %add3A_354 = arith.constant 1 : i32
        %add3A_355 = arith.addi %add3A_353, %add3A_354 : i32
        %get3A_356 = arith.index_cast %add3A_355 : i32 to index
        %get3A_357 = arith.constant 16 : index
        %get3A_358 = tpu.vector_load %arg7[%get3A_356, %get3A_357] {strides = array<i32>} : memref<240x128xf32, #tpu.memory_space<vmem>>, vector<1x16xf32>,
        %get3A_359 = vector.shape_cast %get3A_358 : vector<1x16xf32> to vector<16xf32>
        %swap3A_360 = arith.index_cast %add3A_351 : i32 to index
        %swap3A_361 = arith.constant 16 : index
        %swap3A_362 = tpu.vector_load %arg8[%swap3A_360, %swap3A_361] {strides = array<i32>} : memref<80x128xf32, #tpu.memory_space<vmem>>, vector<1x16xf32>,
        %swap3A_363 = vector.shape_cast %swap3A_362 : vector<1x16xf32> to vector<16xf32>
        %swap3A_364 = vector.shape_cast %get3A_359 : vector<16xf32> to vector<1x16xf32>
        tpu.vector_store %arg8[%swap3A_360, %swap3A_361], %swap3A_364 {add = true, strides = array<i32>} : memref<80x128xf32, #tpu.memory_space<vmem>>, vector<1x16xf32>,
        %add3A_365 = arith.constant 1 : i32
        %add3A_366 = arith.addi %mul3A_216, %add3A_365 : i32
        %add3A_367 = arith.constant 0 : i32
        %add3A_368 = arith.addi %add3A_367, %mul3A_216 : i32
        %add3A_369 = arith.constant 1 : i32
        %add3A_370 = arith.addi %add3A_368, %add3A_369 : i32
        %get3A_371 = arith.index_cast %add3A_370 : i32 to index
        %get3A_372 = arith.constant 32 : index
        %get3A_373 = tpu.vector_load %arg7[%get3A_371, %get3A_372] {strides = array<i32>} : memref<240x128xf32, #tpu.memory_space<vmem>>, vector<1x16xf32>,
        %get3A_374 = vector.shape_cast %get3A_373 : vector<1x16xf32> to vector<16xf32>
        %swap3A_375 = arith.index_cast %add3A_366 : i32 to index
        %swap3A_376 = arith.constant 32 : index
        %swap3A_377 = tpu.vector_load %arg8[%swap3A_375, %swap3A_376] {strides = array<i32>} : memref<80x128xf32, #tpu.memory_space<vmem>>, vector<1x16xf32>,
        %swap3A_378 = vector.shape_cast %swap3A_377 : vector<1x16xf32> to vector<16xf32>
        %swap3A_379 = vector.shape_cast %get3A_374 : vector<16xf32> to vector<1x16xf32>
        tpu.vector_store %arg8[%swap3A_375, %swap3A_376], %swap3A_379 {add = true, strides = array<i32>} : memref<80x128xf32, #tpu.memory_space<vmem>>, vector<1x16xf32>,
        %add3A_380 = arith.constant 1 : i32
        %add3A_381 = arith.addi %mul3A_216, %add3A_380 : i32
        %add3A_382 = arith.constant 0 : i32
        %add3A_383 = arith.addi %add3A_382, %mul3A_216 : i32
        %add3A_384 = arith.constant 1 : i32
        %add3A_385 = arith.addi %add3A_383, %add3A_384 : i32
        %get3A_386 = arith.index_cast %add3A_385 : i32 to index
        %get3A_387 = arith.constant 48 : index
        %get3A_388 = tpu.vector_load %arg7[%get3A_386, %get3A_387] {strides = array<i32>} : memref<240x128xf32, #tpu.memory_space<vmem>>, vector<1x16xf32>,
        %get3A_389 = vector.shape_cast %get3A_388 : vector<1x16xf32> to vector<16xf32>
        %swap3A_390 = arith.index_cast %add3A_381 : i32 to index
        %swap3A_391 = arith.constant 48 : index
        %swap3A_392 = tpu.vector_load %arg8[%swap3A_390, %swap3A_391] {strides = array<i32>} : memref<80x128xf32, #tpu.memory_space<vmem>>, vector<1x16xf32>,
        %swap3A_393 = vector.shape_cast %swap3A_392 : vector<1x16xf32> to vector<16xf32>
        %swap3A_394 = vector.shape_cast %get3A_389 : vector<16xf32> to vector<1x16xf32>
        tpu.vector_store %arg8[%swap3A_390, %swap3A_391], %swap3A_394 {add = true, strides = array<i32>} : memref<80x128xf32, #tpu.memory_space<vmem>>, vector<1x16xf32>,
        %add3A_395 = arith.constant 1 : i32
        %add3A_396 = arith.addi %mul3A_216, %add3A_395 : i32
        %add3A_397 = arith.constant 0 : i32
        %add3A_398 = arith.addi %add3A_397, %mul3A_216 : i32
        %add3A_399 = arith.constant 1 : i32
        %add3A_400 = arith.addi %add3A_398, %add3A_399 : i32
        %get3A_401 = arith.index_cast %add3A_400 : i32 to index
        %get3A_402 = arith.constant 64 : index
        %get3A_403 = tpu.vector_load %arg7[%get3A_401, %get3A_402] {strides = array<i32>} : memref<240x128xf32, #tpu.memory_space<vmem>>, vector<1x16xf32>,
        %get3A_404 = vector.shape_cast %get3A_403 : vector<1x16xf32> to vector<16xf32>
        %swap3A_405 = arith.index_cast %add3A_396 : i32 to index
        %swap3A_406 = arith.constant 64 : index
        %swap3A_407 = tpu.vector_load %arg8[%swap3A_405, %swap3A_406] {strides = array<i32>} : memref<80x128xf32, #tpu.memory_space<vmem>>, vector<1x16xf32>,
        %swap3A_408 = vector.shape_cast %swap3A_407 : vector<1x16xf32> to vector<16xf32>
        %swap3A_409 = vector.shape_cast %get3A_404 : vector<16xf32> to vector<1x16xf32>
        tpu.vector_store %arg8[%swap3A_405, %swap3A_406], %swap3A_409 {add = true, strides = array<i32>} : memref<80x128xf32, #tpu.memory_space<vmem>>, vector<1x16xf32>,
        %add3A_410 = arith.constant 1 : i32
        %add3A_411 = arith.addi %mul3A_216, %add3A_410 : i32
        %add3A_412 = arith.constant 0 : i32
        %add3A_413 = arith.addi %add3A_412, %mul3A_216 : i32
        %add3A_414 = arith.constant 1 : i32
        %add3A_415 = arith.addi %add3A_413, %add3A_414 : i32
        %get3A_416 = arith.index_cast %add3A_415 : i32 to index
        %get3A_417 = arith.constant 80 : index
        %get3A_418 = tpu.vector_load %arg7[%get3A_416, %get3A_417] {strides = array<i32>} : memref<240x128xf32, #tpu.memory_space<vmem>>, vector<1x16xf32>,
        %get3A_419 = vector.shape_cast %get3A_418 : vector<1x16xf32> to vector<16xf32>
        %swap3A_420 = arith.index_cast %add3A_411 : i32 to index
        %swap3A_421 = arith.constant 80 : index
        %swap3A_422 = tpu.vector_load %arg8[%swap3A_420, %swap3A_421] {strides = array<i32>} : memref<80x128xf32, #tpu.memory_space<vmem>>, vector<1x16xf32>,
        %swap3A_423 = vector.shape_cast %swap3A_422 : vector<1x16xf32> to vector<16xf32>
        %swap3A_424 = vector.shape_cast %get3A_419 : vector<16xf32> to vector<1x16xf32>
        tpu.vector_store %arg8[%swap3A_420, %swap3A_421], %swap3A_424 {add = true, strides = array<i32>} : memref<80x128xf32, #tpu.memory_space<vmem>>, vector<1x16xf32>,
        %add3A_425 = arith.constant 1 : i32
        %add3A_426 = arith.addi %mul3A_216, %add3A_425 : i32
        %add3A_427 = arith.constant 0 : i32
        %add3A_428 = arith.addi %add3A_427, %mul3A_216 : i32
        %add3A_429 = arith.constant 1 : i32
        %add3A_430 = arith.addi %add3A_428, %add3A_429 : i32
        %get3A_431 = arith.index_cast %add3A_430 : i32 to index
        %get3A_432 = arith.constant 96 : index
        %get3A_433 = tpu.vector_load %arg7[%get3A_431, %get3A_432] {strides = array<i32>} : memref<240x128xf32, #tpu.memory_space<vmem>>, vector<1x16xf32>,
        %get3A_434 = vector.shape_cast %get3A_433 : vector<1x16xf32> to vector<16xf32>
        %swap3A_435 = arith.index_cast %add3A_426 : i32 to index
        %swap3A_436 = arith.constant 96 : index
        %swap3A_437 = tpu.vector_load %arg8[%swap3A_435, %swap3A_436] {strides = array<i32>} : memref<80x128xf32, #tpu.memory_space<vmem>>, vector<1x16xf32>,
        %swap3A_438 = vector.shape_cast %swap3A_437 : vector<1x16xf32> to vector<16xf32>
        %swap3A_439 = vector.shape_cast %get3A_434 : vector<16xf32> to vector<1x16xf32>
        tpu.vector_store %arg8[%swap3A_435, %swap3A_436], %swap3A_439 {add = true, strides = array<i32>} : memref<80x128xf32, #tpu.memory_space<vmem>>, vector<1x16xf32>,
        %add3A_440 = arith.constant 1 : i32
        %add3A_441 = arith.addi %mul3A_216, %add3A_440 : i32
        %add3A_442 = arith.constant 0 : i32
        %add3A_443 = arith.addi %add3A_442, %mul3A_216 : i32
        %add3A_444 = arith.constant 1 : i32
        %add3A_445 = arith.addi %add3A_443, %add3A_444 : i32
        %get3A_446 = arith.index_cast %add3A_445 : i32 to index
        %get3A_447 = arith.constant 112 : index
        %get3A_448 = tpu.vector_load %arg7[%get3A_446, %get3A_447] {strides = array<i32>} : memref<240x128xf32, #tpu.memory_space<vmem>>, vector<1x16xf32>,
        %get3A_449 = vector.shape_cast %get3A_448 : vector<1x16xf32> to vector<16xf32>
        %swap3A_450 = arith.index_cast %add3A_441 : i32 to index
        %swap3A_451 = arith.constant 112 : index
        %swap3A_452 = tpu.vector_load %arg8[%swap3A_450, %swap3A_451] {strides = array<i32>} : memref<80x128xf32, #tpu.memory_space<vmem>>, vector<1x16xf32>,
        %swap3A_453 = vector.shape_cast %swap3A_452 : vector<1x16xf32> to vector<16xf32>
        %swap3A_454 = vector.shape_cast %get3A_449 : vector<16xf32> to vector<1x16xf32>
        tpu.vector_store %arg8[%swap3A_450, %swap3A_451], %swap3A_454 {add = true, strides = array<i32>} : memref<80x128xf32, #tpu.memory_space<vmem>>, vector<1x16xf32>,
      }
      %scan3A_54 = arith.constant 40 : i32
      %mul3A_55 = arith.constant 80 : i32
      %mul3A_56 = arith.muli %add3A_41, %mul3A_55 : i32
      %add3A_57 = arith.addi %mul3A_2, %mul3A_56 : i32
      %dma_start3A_58 = arith.constant 0 : i32
      %dma_start3A_59 = tpu.memref_slice %arg5[%add3A_57, %dma_start3A_58] : memref<819200x128xf32, #tpu.memory_space<hbm>> -> memref<80x128xf32, #tpu.memory_space<hbm>>
      %dma_start3A_60 = arith.constant 0 : i32
      %dma_start3A_61 = tpu.memref_slice %arg5[%add3A_57, %dma_start3A_60] : memref<819200x128xf32, #tpu.memory_space<hbm>> -> memref<80x128xf32, #tpu.memory_space<hbm>>
      tpu.enqueue_dma source(%arg8 : memref<80x128xf32, #tpu.memory_space<vmem>>) target(%dma_start3A_61 : memref<80x128xf32, #tpu.memory_space<hbm>>) target_semaphore(%arg18 : memref<!tpu.dma_semaphore, #tpu.memory_space<semaphore_mem>>)
      %ge3A = arith.constant 2 : i32
      %ge3A_62 = arith.cmpi sge, %add3A_41, %ge3A : i32
      %convert_element_type3A = arith.extui %ge3A_62 : i1 to i32
      %cond3A = arith.constant 0 : i32
      %cond3A_63 = arith.cmpi ne, %convert_element_type3A, %cond3A : i32
      scf.if %cond3A_63 {
        %dma_wait3A_214 = arith.constant 0 : i32
        %dma_wait3A_215 = tpu.memref_slice %arg5[%mul3A_2, %dma_wait3A_214] : memref<819200x128xf32, #tpu.memory_space<hbm>> -> memref<80x128xf32, #tpu.memory_space<hbm>>
        %dma_wait3A_216 = arith.constant 0 : i32
        %dma_wait3A_217 = tpu.memref_slice %arg5[%mul3A_2, %dma_wait3A_216] : memref<819200x128xf32, #tpu.memory_space<hbm>> -> memref<80x128xf32, #tpu.memory_space<hbm>>
        tpu.wait_dma2 semaphore(%arg21 : memref<!tpu.dma_semaphore, #tpu.memory_space<semaphore_mem>>) src(%arg11 : memref<80x128xf32, #tpu.memory_space<vmem>>) dst(%dma_wait3A_217 : memref<80x128xf32, #tpu.memory_space<hbm>>)
      } else {
      }
      %add3A_64 = arith.constant 3 : i32
      %add3A_65 = arith.addi %add3A_41, %add3A_64 : i32
      %lt3A = arith.constant 320 : i32
      %lt3A_66 = arith.cmpi slt, %add3A_65, %lt3A : i32
      %convert_element_type3A_67 = arith.extui %lt3A_66 : i1 to i32
      %cond3A_68 = arith.constant 0 : i32
      %cond3A_69 = arith.cmpi ne, %convert_element_type3A_67, %cond3A_68 : i32
      scf.if %cond3A_69 {
        %add3A_214 = arith.constant 3 : i32
        %add3A_215 = arith.addi %add3A_41, %add3A_214 : i32
        %dma_start3A_216 = arith.constant 0 : i32
        %dma_start3A_217 = tpu.memref_slice %arg6[%add3A_215, %dma_start3A_216] : memref<320x80xi32, #tpu.memory_space<vmem>> -> memref<1x80xi32, #tpu.memory_space<vmem>>
        %dma_start3A_218 = tpu.memref_squeeze %dma_start3A_217 : memref<1x80xi32, #tpu.memory_space<vmem>> -> memref<80xi32, #tpu.memory_space<vmem>>
        %dma_start3A_219 = arith.constant 0 : i32
        %dma_start3A_220 = arith.constant 0 : i32
        %dma_start3A_221 = tpu.memref_slice %arg3[%dma_start3A_219, %dma_start3A_220] : memref<1000000x128xf32, #tpu.memory_space<hbm>> -> memref<1000000x128xf32, #tpu.memory_space<hbm>>
        tpu.enqueue_indirect_dma source(%dma_start3A_221 : memref<1000000x128xf32, #tpu.memory_space<hbm>>) target(%arg11 : memref<80x128xf32, #tpu.memory_space<vmem>>) offsets(%dma_start3A_218 : memref<80xi32, #tpu.memory_space<vmem>>) semaphore(%arg16 : memref<!tpu.dma_semaphore, #tpu.memory_space<semaphore_mem>>)
      } else {
      }
      %mul3A_70 = arith.constant 5 : i32
      %mul3A_71 = arith.muli %scan3A_37, %mul3A_70 : i32
      %add3A_72 = arith.constant 1 : i32
      %add3A_73 = arith.addi %mul3A_71, %add3A_72 : i32
      %dma_wait3A_74 = arith.constant 0 : i32
      %dma_wait3A_75 = arith.constant 0 : i32
      %dma_wait3A_76 = tpu.memref_slice %arg6[%dma_wait3A_74, %dma_wait3A_75] : memref<320x80xi32, #tpu.memory_space<vmem>> -> memref<1x80xi32, #tpu.memory_space<vmem>>
      %dma_wait3A_77 = tpu.memref_squeeze %dma_wait3A_76 : memref<1x80xi32, #tpu.memory_space<vmem>> -> memref<80xi32, #tpu.memory_space<vmem>>
      %dma_wait3A_78 = arith.constant 0 : i32
      %dma_wait3A_79 = arith.constant 0 : i32
      %dma_wait3A_80 = tpu.memref_slice %arg3[%dma_wait3A_78, %dma_wait3A_79] : memref<1000000x128xf32, #tpu.memory_space<hbm>> -> memref<1000000x128xf32, #tpu.memory_space<hbm>>
      tpu.wait_indirect_dma semaphore(%arg14 : memref<!tpu.dma_semaphore, #tpu.memory_space<semaphore_mem>>) src(%dma_wait3A_80 : memref<1000000x128xf32, #tpu.memory_space<hbm>>) dst(%arg9 : memref<80x128xf32, #tpu.memory_space<vmem>>)
      %scan3A_81 = arith.constant 0 : i32
      %scan3A_82 = arith.constant 0 : i32
      %scan3A_83 = arith.constant 40 : i32
      %scan3A_84 = arith.addi %scan3A_82, %scan3A_83 : i32
      %scan3A_85 = arith.constant 1 : i32
      scf.for %scan3A_214 = %scan3A_82 to %scan3A_84 step %scan3A_85  : i32 {
        %mul3A_215 = arith.constant 2 : i32
        %mul3A_216 = arith.muli %scan3A_214, %mul3A_215 : i32
        %add3A_217 = arith.constant 0 : i32
        %add3A_218 = arith.addi %mul3A_216, %add3A_217 : i32
        %add3A_219 = arith.constant 80 : i32
        %add3A_220 = arith.addi %add3A_219, %mul3A_216 : i32
        %add3A_221 = arith.constant 0 : i32
        %add3A_222 = arith.addi %add3A_220, %add3A_221 : i32
        %get3A = arith.index_cast %add3A_222 : i32 to index
        %get3A_223 = arith.constant 0 : index
        %get3A_224 = tpu.vector_load %arg7[%get3A, %get3A_223] {strides = array<i32>} : memref<240x128xf32, #tpu.memory_space<vmem>>, vector<1x16xf32>,
        %get3A_225 = vector.shape_cast %get3A_224 : vector<1x16xf32> to vector<16xf32>
        %swap3A = arith.index_cast %add3A_218 : i32 to index
        %swap3A_226 = arith.constant 0 : index
        %swap3A_227 = tpu.vector_load %arg9[%swap3A, %swap3A_226] {strides = array<i32>} : memref<80x128xf32, #tpu.memory_space<vmem>>, vector<1x16xf32>,
        %swap3A_228 = vector.shape_cast %swap3A_227 : vector<1x16xf32> to vector<16xf32>
        %swap3A_229 = vector.shape_cast %get3A_225 : vector<16xf32> to vector<1x16xf32>
        tpu.vector_store %arg9[%swap3A, %swap3A_226], %swap3A_229 {add = true, strides = array<i32>} : memref<80x128xf32, #tpu.memory_space<vmem>>, vector<1x16xf32>,
        %add3A_230 = arith.constant 0 : i32
        %add3A_231 = arith.addi %mul3A_216, %add3A_230 : i32
        %add3A_232 = arith.constant 80 : i32
        %add3A_233 = arith.addi %add3A_232, %mul3A_216 : i32
        %add3A_234 = arith.constant 0 : i32
        %add3A_235 = arith.addi %add3A_233, %add3A_234 : i32
        %get3A_236 = arith.index_cast %add3A_235 : i32 to index
        %get3A_237 = arith.constant 16 : index
        %get3A_238 = tpu.vector_load %arg7[%get3A_236, %get3A_237] {strides = array<i32>} : memref<240x128xf32, #tpu.memory_space<vmem>>, vector<1x16xf32>,
        %get3A_239 = vector.shape_cast %get3A_238 : vector<1x16xf32> to vector<16xf32>
        %swap3A_240 = arith.index_cast %add3A_231 : i32 to index
        %swap3A_241 = arith.constant 16 : index
        %swap3A_242 = tpu.vector_load %arg9[%swap3A_240, %swap3A_241] {strides = array<i32>} : memref<80x128xf32, #tpu.memory_space<vmem>>, vector<1x16xf32>,
        %swap3A_243 = vector.shape_cast %swap3A_242 : vector<1x16xf32> to vector<16xf32>
        %swap3A_244 = vector.shape_cast %get3A_239 : vector<16xf32> to vector<1x16xf32>
        tpu.vector_store %arg9[%swap3A_240, %swap3A_241], %swap3A_244 {add = true, strides = array<i32>} : memref<80x128xf32, #tpu.memory_space<vmem>>, vector<1x16xf32>,
        %add3A_245 = arith.constant 0 : i32
        %add3A_246 = arith.addi %mul3A_216, %add3A_245 : i32
        %add3A_247 = arith.constant 80 : i32
        %add3A_248 = arith.addi %add3A_247, %mul3A_216 : i32
        %add3A_249 = arith.constant 0 : i32
        %add3A_250 = arith.addi %add3A_248, %add3A_249 : i32
        %get3A_251 = arith.index_cast %add3A_250 : i32 to index
        %get3A_252 = arith.constant 32 : index
        %get3A_253 = tpu.vector_load %arg7[%get3A_251, %get3A_252] {strides = array<i32>} : memref<240x128xf32, #tpu.memory_space<vmem>>, vector<1x16xf32>,
        %get3A_254 = vector.shape_cast %get3A_253 : vector<1x16xf32> to vector<16xf32>
        %swap3A_255 = arith.index_cast %add3A_246 : i32 to index
        %swap3A_256 = arith.constant 32 : index
        %swap3A_257 = tpu.vector_load %arg9[%swap3A_255, %swap3A_256] {strides = array<i32>} : memref<80x128xf32, #tpu.memory_space<vmem>>, vector<1x16xf32>,
        %swap3A_258 = vector.shape_cast %swap3A_257 : vector<1x16xf32> to vector<16xf32>
        %swap3A_259 = vector.shape_cast %get3A_254 : vector<16xf32> to vector<1x16xf32>
        tpu.vector_store %arg9[%swap3A_255, %swap3A_256], %swap3A_259 {add = true, strides = array<i32>} : memref<80x128xf32, #tpu.memory_space<vmem>>, vector<1x16xf32>,
        %add3A_260 = arith.constant 0 : i32
        %add3A_261 = arith.addi %mul3A_216, %add3A_260 : i32
        %add3A_262 = arith.constant 80 : i32
        %add3A_263 = arith.addi %add3A_262, %mul3A_216 : i32
        %add3A_264 = arith.constant 0 : i32
        %add3A_265 = arith.addi %add3A_263, %add3A_264 : i32
        %get3A_266 = arith.index_cast %add3A_265 : i32 to index
        %get3A_267 = arith.constant 48 : index
        %get3A_268 = tpu.vector_load %arg7[%get3A_266, %get3A_267] {strides = array<i32>} : memref<240x128xf32, #tpu.memory_space<vmem>>, vector<1x16xf32>,
        %get3A_269 = vector.shape_cast %get3A_268 : vector<1x16xf32> to vector<16xf32>
        %swap3A_270 = arith.index_cast %add3A_261 : i32 to index
        %swap3A_271 = arith.constant 48 : index
        %swap3A_272 = tpu.vector_load %arg9[%swap3A_270, %swap3A_271] {strides = array<i32>} : memref<80x128xf32, #tpu.memory_space<vmem>>, vector<1x16xf32>,
        %swap3A_273 = vector.shape_cast %swap3A_272 : vector<1x16xf32> to vector<16xf32>
        %swap3A_274 = vector.shape_cast %get3A_269 : vector<16xf32> to vector<1x16xf32>
        tpu.vector_store %arg9[%swap3A_270, %swap3A_271], %swap3A_274 {add = true, strides = array<i32>} : memref<80x128xf32, #tpu.memory_space<vmem>>, vector<1x16xf32>,
        %add3A_275 = arith.constant 0 : i32
        %add3A_276 = arith.addi %mul3A_216, %add3A_275 : i32
        %add3A_277 = arith.constant 80 : i32
        %add3A_278 = arith.addi %add3A_277, %mul3A_216 : i32
        %add3A_279 = arith.constant 0 : i32
        %add3A_280 = arith.addi %add3A_278, %add3A_279 : i32
        %get3A_281 = arith.index_cast %add3A_280 : i32 to index
        %get3A_282 = arith.constant 64 : index
        %get3A_283 = tpu.vector_load %arg7[%get3A_281, %get3A_282] {strides = array<i32>} : memref<240x128xf32, #tpu.memory_space<vmem>>, vector<1x16xf32>,
        %get3A_284 = vector.shape_cast %get3A_283 : vector<1x16xf32> to vector<16xf32>
        %swap3A_285 = arith.index_cast %add3A_276 : i32 to index
        %swap3A_286 = arith.constant 64 : index
        %swap3A_287 = tpu.vector_load %arg9[%swap3A_285, %swap3A_286] {strides = array<i32>} : memref<80x128xf32, #tpu.memory_space<vmem>>, vector<1x16xf32>,
        %swap3A_288 = vector.shape_cast %swap3A_287 : vector<1x16xf32> to vector<16xf32>
        %swap3A_289 = vector.shape_cast %get3A_284 : vector<16xf32> to vector<1x16xf32>
        tpu.vector_store %arg9[%swap3A_285, %swap3A_286], %swap3A_289 {add = true, strides = array<i32>} : memref<80x128xf32, #tpu.memory_space<vmem>>, vector<1x16xf32>,
        %add3A_290 = arith.constant 0 : i32
        %add3A_291 = arith.addi %mul3A_216, %add3A_290 : i32
        %add3A_292 = arith.constant 80 : i32
        %add3A_293 = arith.addi %add3A_292, %mul3A_216 : i32
        %add3A_294 = arith.constant 0 : i32
        %add3A_295 = arith.addi %add3A_293, %add3A_294 : i32
        %get3A_296 = arith.index_cast %add3A_295 : i32 to index
        %get3A_297 = arith.constant 80 : index
        %get3A_298 = tpu.vector_load %arg7[%get3A_296, %get3A_297] {strides = array<i32>} : memref<240x128xf32, #tpu.memory_space<vmem>>, vector<1x16xf32>,
        %get3A_299 = vector.shape_cast %get3A_298 : vector<1x16xf32> to vector<16xf32>
        %swap3A_300 = arith.index_cast %add3A_291 : i32 to index
        %swap3A_301 = arith.constant 80 : index
        %swap3A_302 = tpu.vector_load %arg9[%swap3A_300, %swap3A_301] {strides = array<i32>} : memref<80x128xf32, #tpu.memory_space<vmem>>, vector<1x16xf32>,
        %swap3A_303 = vector.shape_cast %swap3A_302 : vector<1x16xf32> to vector<16xf32>
        %swap3A_304 = vector.shape_cast %get3A_299 : vector<16xf32> to vector<1x16xf32>
        tpu.vector_store %arg9[%swap3A_300, %swap3A_301], %swap3A_304 {add = true, strides = array<i32>} : memref<80x128xf32, #tpu.memory_space<vmem>>, vector<1x16xf32>,
        %add3A_305 = arith.constant 0 : i32
        %add3A_306 = arith.addi %mul3A_216, %add3A_305 : i32
        %add3A_307 = arith.constant 80 : i32
        %add3A_308 = arith.addi %add3A_307, %mul3A_216 : i32
        %add3A_309 = arith.constant 0 : i32
        %add3A_310 = arith.addi %add3A_308, %add3A_309 : i32
        %get3A_311 = arith.index_cast %add3A_310 : i32 to index
        %get3A_312 = arith.constant 96 : index
        %get3A_313 = tpu.vector_load %arg7[%get3A_311, %get3A_312] {strides = array<i32>} : memref<240x128xf32, #tpu.memory_space<vmem>>, vector<1x16xf32>,
        %get3A_314 = vector.shape_cast %get3A_313 : vector<1x16xf32> to vector<16xf32>
        %swap3A_315 = arith.index_cast %add3A_306 : i32 to index
        %swap3A_316 = arith.constant 96 : index
        %swap3A_317 = tpu.vector_load %arg9[%swap3A_315, %swap3A_316] {strides = array<i32>} : memref<80x128xf32, #tpu.memory_space<vmem>>, vector<1x16xf32>,
        %swap3A_318 = vector.shape_cast %swap3A_317 : vector<1x16xf32> to vector<16xf32>
        %swap3A_319 = vector.shape_cast %get3A_314 : vector<16xf32> to vector<1x16xf32>
        tpu.vector_store %arg9[%swap3A_315, %swap3A_316], %swap3A_319 {add = true, strides = array<i32>} : memref<80x128xf32, #tpu.memory_space<vmem>>, vector<1x16xf32>,
        %add3A_320 = arith.constant 0 : i32
        %add3A_321 = arith.addi %mul3A_216, %add3A_320 : i32
        %add3A_322 = arith.constant 80 : i32
        %add3A_323 = arith.addi %add3A_322, %mul3A_216 : i32
        %add3A_324 = arith.constant 0 : i32
        %add3A_325 = arith.addi %add3A_323, %add3A_324 : i32
        %get3A_326 = arith.index_cast %add3A_325 : i32 to index
        %get3A_327 = arith.constant 112 : index
        %get3A_328 = tpu.vector_load %arg7[%get3A_326, %get3A_327] {strides = array<i32>} : memref<240x128xf32, #tpu.memory_space<vmem>>, vector<1x16xf32>,
        %get3A_329 = vector.shape_cast %get3A_328 : vector<1x16xf32> to vector<16xf32>
        %swap3A_330 = arith.index_cast %add3A_321 : i32 to index
        %swap3A_331 = arith.constant 112 : index
        %swap3A_332 = tpu.vector_load %arg9[%swap3A_330, %swap3A_331] {strides = array<i32>} : memref<80x128xf32, #tpu.memory_space<vmem>>, vector<1x16xf32>,
        %swap3A_333 = vector.shape_cast %swap3A_332 : vector<1x16xf32> to vector<16xf32>
        %swap3A_334 = vector.shape_cast %get3A_329 : vector<16xf32> to vector<1x16xf32>
        tpu.vector_store %arg9[%swap3A_330, %swap3A_331], %swap3A_334 {add = true, strides = array<i32>} : memref<80x128xf32, #tpu.memory_space<vmem>>, vector<1x16xf32>,
        %add3A_335 = arith.constant 1 : i32
        %add3A_336 = arith.addi %mul3A_216, %add3A_335 : i32
        %add3A_337 = arith.constant 80 : i32
        %add3A_338 = arith.addi %add3A_337, %mul3A_216 : i32
        %add3A_339 = arith.constant 1 : i32
        %add3A_340 = arith.addi %add3A_338, %add3A_339 : i32
        %get3A_341 = arith.index_cast %add3A_340 : i32 to index
        %get3A_342 = arith.constant 0 : index
        %get3A_343 = tpu.vector_load %arg7[%get3A_341, %get3A_342] {strides = array<i32>} : memref<240x128xf32, #tpu.memory_space<vmem>>, vector<1x16xf32>,
        %get3A_344 = vector.shape_cast %get3A_343 : vector<1x16xf32> to vector<16xf32>
        %swap3A_345 = arith.index_cast %add3A_336 : i32 to index
        %swap3A_346 = arith.constant 0 : index
        %swap3A_347 = tpu.vector_load %arg9[%swap3A_345, %swap3A_346] {strides = array<i32>} : memref<80x128xf32, #tpu.memory_space<vmem>>, vector<1x16xf32>,
        %swap3A_348 = vector.shape_cast %swap3A_347 : vector<1x16xf32> to vector<16xf32>
        %swap3A_349 = vector.shape_cast %get3A_344 : vector<16xf32> to vector<1x16xf32>
        tpu.vector_store %arg9[%swap3A_345, %swap3A_346], %swap3A_349 {add = true, strides = array<i32>} : memref<80x128xf32, #tpu.memory_space<vmem>>, vector<1x16xf32>,
        %add3A_350 = arith.constant 1 : i32
        %add3A_351 = arith.addi %mul3A_216, %add3A_350 : i32
        %add3A_352 = arith.constant 80 : i32
        %add3A_353 = arith.addi %add3A_352, %mul3A_216 : i32
        %add3A_354 = arith.constant 1 : i32
        %add3A_355 = arith.addi %add3A_353, %add3A_354 : i32
        %get3A_356 = arith.index_cast %add3A_355 : i32 to index
        %get3A_357 = arith.constant 16 : index
        %get3A_358 = tpu.vector_load %arg7[%get3A_356, %get3A_357] {strides = array<i32>} : memref<240x128xf32, #tpu.memory_space<vmem>>, vector<1x16xf32>,
        %get3A_359 = vector.shape_cast %get3A_358 : vector<1x16xf32> to vector<16xf32>
        %swap3A_360 = arith.index_cast %add3A_351 : i32 to index
        %swap3A_361 = arith.constant 16 : index
        %swap3A_362 = tpu.vector_load %arg9[%swap3A_360, %swap3A_361] {strides = array<i32>} : memref<80x128xf32, #tpu.memory_space<vmem>>, vector<1x16xf32>,
        %swap3A_363 = vector.shape_cast %swap3A_362 : vector<1x16xf32> to vector<16xf32>
        %swap3A_364 = vector.shape_cast %get3A_359 : vector<16xf32> to vector<1x16xf32>
        tpu.vector_store %arg9[%swap3A_360, %swap3A_361], %swap3A_364 {add = true, strides = array<i32>} : memref<80x128xf32, #tpu.memory_space<vmem>>, vector<1x16xf32>,
        %add3A_365 = arith.constant 1 : i32
        %add3A_366 = arith.addi %mul3A_216, %add3A_365 : i32
        %add3A_367 = arith.constant 80 : i32
        %add3A_368 = arith.addi %add3A_367, %mul3A_216 : i32
        %add3A_369 = arith.constant 1 : i32
        %add3A_370 = arith.addi %add3A_368, %add3A_369 : i32
        %get3A_371 = arith.index_cast %add3A_370 : i32 to index
        %get3A_372 = arith.constant 32 : index
        %get3A_373 = tpu.vector_load %arg7[%get3A_371, %get3A_372] {strides = array<i32>} : memref<240x128xf32, #tpu.memory_space<vmem>>, vector<1x16xf32>,
        %get3A_374 = vector.shape_cast %get3A_373 : vector<1x16xf32> to vector<16xf32>
        %swap3A_375 = arith.index_cast %add3A_366 : i32 to index
        %swap3A_376 = arith.constant 32 : index
        %swap3A_377 = tpu.vector_load %arg9[%swap3A_375, %swap3A_376] {strides = array<i32>} : memref<80x128xf32, #tpu.memory_space<vmem>>, vector<1x16xf32>,
        %swap3A_378 = vector.shape_cast %swap3A_377 : vector<1x16xf32> to vector<16xf32>
        %swap3A_379 = vector.shape_cast %get3A_374 : vector<16xf32> to vector<1x16xf32>
        tpu.vector_store %arg9[%swap3A_375, %swap3A_376], %swap3A_379 {add = true, strides = array<i32>} : memref<80x128xf32, #tpu.memory_space<vmem>>, vector<1x16xf32>,
        %add3A_380 = arith.constant 1 : i32
        %add3A_381 = arith.addi %mul3A_216, %add3A_380 : i32
        %add3A_382 = arith.constant 80 : i32
        %add3A_383 = arith.addi %add3A_382, %mul3A_216 : i32
        %add3A_384 = arith.constant 1 : i32
        %add3A_385 = arith.addi %add3A_383, %add3A_384 : i32
        %get3A_386 = arith.index_cast %add3A_385 : i32 to index
        %get3A_387 = arith.constant 48 : index
        %get3A_388 = tpu.vector_load %arg7[%get3A_386, %get3A_387] {strides = array<i32>} : memref<240x128xf32, #tpu.memory_space<vmem>>, vector<1x16xf32>,
        %get3A_389 = vector.shape_cast %get3A_388 : vector<1x16xf32> to vector<16xf32>
        %swap3A_390 = arith.index_cast %add3A_381 : i32 to index
        %swap3A_391 = arith.constant 48 : index
        %swap3A_392 = tpu.vector_load %arg9[%swap3A_390, %swap3A_391] {strides = array<i32>} : memref<80x128xf32, #tpu.memory_space<vmem>>, vector<1x16xf32>,
        %swap3A_393 = vector.shape_cast %swap3A_392 : vector<1x16xf32> to vector<16xf32>
        %swap3A_394 = vector.shape_cast %get3A_389 : vector<16xf32> to vector<1x16xf32>
        tpu.vector_store %arg9[%swap3A_390, %swap3A_391], %swap3A_394 {add = true, strides = array<i32>} : memref<80x128xf32, #tpu.memory_space<vmem>>, vector<1x16xf32>,
        %add3A_395 = arith.constant 1 : i32
        %add3A_396 = arith.addi %mul3A_216, %add3A_395 : i32
        %add3A_397 = arith.constant 80 : i32
        %add3A_398 = arith.addi %add3A_397, %mul3A_216 : i32
        %add3A_399 = arith.constant 1 : i32
        %add3A_400 = arith.addi %add3A_398, %add3A_399 : i32
        %get3A_401 = arith.index_cast %add3A_400 : i32 to index
        %get3A_402 = arith.constant 64 : index
        %get3A_403 = tpu.vector_load %arg7[%get3A_401, %get3A_402] {strides = array<i32>} : memref<240x128xf32, #tpu.memory_space<vmem>>, vector<1x16xf32>,
        %get3A_404 = vector.shape_cast %get3A_403 : vector<1x16xf32> to vector<16xf32>
        %swap3A_405 = arith.index_cast %add3A_396 : i32 to index
        %swap3A_406 = arith.constant 64 : index
        %swap3A_407 = tpu.vector_load %arg9[%swap3A_405, %swap3A_406] {strides = array<i32>} : memref<80x128xf32, #tpu.memory_space<vmem>>, vector<1x16xf32>,
        %swap3A_408 = vector.shape_cast %swap3A_407 : vector<1x16xf32> to vector<16xf32>
        %swap3A_409 = vector.shape_cast %get3A_404 : vector<16xf32> to vector<1x16xf32>
        tpu.vector_store %arg9[%swap3A_405, %swap3A_406], %swap3A_409 {add = true, strides = array<i32>} : memref<80x128xf32, #tpu.memory_space<vmem>>, vector<1x16xf32>,
        %add3A_410 = arith.constant 1 : i32
        %add3A_411 = arith.addi %mul3A_216, %add3A_410 : i32
        %add3A_412 = arith.constant 80 : i32
        %add3A_413 = arith.addi %add3A_412, %mul3A_216 : i32
        %add3A_414 = arith.constant 1 : i32
        %add3A_415 = arith.addi %add3A_413, %add3A_414 : i32
        %get3A_416 = arith.index_cast %add3A_415 : i32 to index
        %get3A_417 = arith.constant 80 : index
        %get3A_418 = tpu.vector_load %arg7[%get3A_416, %get3A_417] {strides = array<i32>} : memref<240x128xf32, #tpu.memory_space<vmem>>, vector<1x16xf32>,
        %get3A_419 = vector.shape_cast %get3A_418 : vector<1x16xf32> to vector<16xf32>
        %swap3A_420 = arith.index_cast %add3A_411 : i32 to index
        %swap3A_421 = arith.constant 80 : index
        %swap3A_422 = tpu.vector_load %arg9[%swap3A_420, %swap3A_421] {strides = array<i32>} : memref<80x128xf32, #tpu.memory_space<vmem>>, vector<1x16xf32>,
        %swap3A_423 = vector.shape_cast %swap3A_422 : vector<1x16xf32> to vector<16xf32>
        %swap3A_424 = vector.shape_cast %get3A_419 : vector<16xf32> to vector<1x16xf32>
        tpu.vector_store %arg9[%swap3A_420, %swap3A_421], %swap3A_424 {add = true, strides = array<i32>} : memref<80x128xf32, #tpu.memory_space<vmem>>, vector<1x16xf32>,
        %add3A_425 = arith.constant 1 : i32
        %add3A_426 = arith.addi %mul3A_216, %add3A_425 : i32
        %add3A_427 = arith.constant 80 : i32
        %add3A_428 = arith.addi %add3A_427, %mul3A_216 : i32
        %add3A_429 = arith.constant 1 : i32
        %add3A_430 = arith.addi %add3A_428, %add3A_429 : i32
        %get3A_431 = arith.index_cast %add3A_430 : i32 to index
        %get3A_432 = arith.constant 96 : index
        %get3A_433 = tpu.vector_load %arg7[%get3A_431, %get3A_432] {strides = array<i32>} : memref<240x128xf32, #tpu.memory_space<vmem>>, vector<1x16xf32>,
        %get3A_434 = vector.shape_cast %get3A_433 : vector<1x16xf32> to vector<16xf32>
        %swap3A_435 = arith.index_cast %add3A_426 : i32 to index
        %swap3A_436 = arith.constant 96 : index
        %swap3A_437 = tpu.vector_load %arg9[%swap3A_435, %swap3A_436] {strides = array<i32>} : memref<80x128xf32, #tpu.memory_space<vmem>>, vector<1x16xf32>,
        %swap3A_438 = vector.shape_cast %swap3A_437 : vector<1x16xf32> to vector<16xf32>
        %swap3A_439 = vector.shape_cast %get3A_434 : vector<16xf32> to vector<1x16xf32>
        tpu.vector_store %arg9[%swap3A_435, %swap3A_436], %swap3A_439 {add = true, strides = array<i32>} : memref<80x128xf32, #tpu.memory_space<vmem>>, vector<1x16xf32>,
        %add3A_440 = arith.constant 1 : i32
        %add3A_441 = arith.addi %mul3A_216, %add3A_440 : i32
        %add3A_442 = arith.constant 80 : i32
        %add3A_443 = arith.addi %add3A_442, %mul3A_216 : i32
        %add3A_444 = arith.constant 1 : i32
        %add3A_445 = arith.addi %add3A_443, %add3A_444 : i32
        %get3A_446 = arith.index_cast %add3A_445 : i32 to index
        %get3A_447 = arith.constant 112 : index
        %get3A_448 = tpu.vector_load %arg7[%get3A_446, %get3A_447] {strides = array<i32>} : memref<240x128xf32, #tpu.memory_space<vmem>>, vector<1x16xf32>,
        %get3A_449 = vector.shape_cast %get3A_448 : vector<1x16xf32> to vector<16xf32>
        %swap3A_450 = arith.index_cast %add3A_441 : i32 to index
        %swap3A_451 = arith.constant 112 : index
        %swap3A_452 = tpu.vector_load %arg9[%swap3A_450, %swap3A_451] {strides = array<i32>} : memref<80x128xf32, #tpu.memory_space<vmem>>, vector<1x16xf32>,
        %swap3A_453 = vector.shape_cast %swap3A_452 : vector<1x16xf32> to vector<16xf32>
        %swap3A_454 = vector.shape_cast %get3A_449 : vector<16xf32> to vector<1x16xf32>
        tpu.vector_store %arg9[%swap3A_450, %swap3A_451], %swap3A_454 {add = true, strides = array<i32>} : memref<80x128xf32, #tpu.memory_space<vmem>>, vector<1x16xf32>,
      }
      %scan3A_86 = arith.constant 40 : i32
      %mul3A_87 = arith.constant 80 : i32
      %mul3A_88 = arith.muli %add3A_73, %mul3A_87 : i32
      %add3A_89 = arith.addi %mul3A_2, %mul3A_88 : i32
      %dma_start3A_90 = arith.constant 0 : i32
      %dma_start3A_91 = tpu.memref_slice %arg5[%add3A_89, %dma_start3A_90] : memref<819200x128xf32, #tpu.memory_space<hbm>> -> memref<80x128xf32, #tpu.memory_space<hbm>>
      %dma_start3A_92 = arith.constant 0 : i32
      %dma_start3A_93 = tpu.memref_slice %arg5[%add3A_89, %dma_start3A_92] : memref<819200x128xf32, #tpu.memory_space<hbm>> -> memref<80x128xf32, #tpu.memory_space<hbm>>
      tpu.enqueue_dma source(%arg9 : memref<80x128xf32, #tpu.memory_space<vmem>>) target(%dma_start3A_93 : memref<80x128xf32, #tpu.memory_space<hbm>>) target_semaphore(%arg19 : memref<!tpu.dma_semaphore, #tpu.memory_space<semaphore_mem>>)
      %ge3A_94 = arith.constant 2 : i32
      %ge3A_95 = arith.cmpi sge, %add3A_73, %ge3A_94 : i32
      %convert_element_type3A_96 = arith.extui %ge3A_95 : i1 to i32
      %cond3A_97 = arith.constant 0 : i32
      %cond3A_98 = arith.cmpi ne, %convert_element_type3A_96, %cond3A_97 : i32
      scf.if %cond3A_98 {
        %dma_wait3A_214 = arith.constant 0 : i32
        %dma_wait3A_215 = tpu.memref_slice %arg5[%mul3A_2, %dma_wait3A_214] : memref<819200x128xf32, #tpu.memory_space<hbm>> -> memref<80x128xf32, #tpu.memory_space<hbm>>
        %dma_wait3A_216 = arith.constant 0 : i32
        %dma_wait3A_217 = tpu.memref_slice %arg5[%mul3A_2, %dma_wait3A_216] : memref<819200x128xf32, #tpu.memory_space<hbm>> -> memref<80x128xf32, #tpu.memory_space<hbm>>
        tpu.wait_dma2 semaphore(%arg22 : memref<!tpu.dma_semaphore, #tpu.memory_space<semaphore_mem>>) src(%arg12 : memref<80x128xf32, #tpu.memory_space<vmem>>) dst(%dma_wait3A_217 : memref<80x128xf32, #tpu.memory_space<hbm>>)
      } else {
      }
      %add3A_99 = arith.constant 3 : i32
      %add3A_100 = arith.addi %add3A_73, %add3A_99 : i32
      %lt3A_101 = arith.constant 320 : i32
      %lt3A_102 = arith.cmpi slt, %add3A_100, %lt3A_101 : i32
      %convert_element_type3A_103 = arith.extui %lt3A_102 : i1 to i32
      %cond3A_104 = arith.constant 0 : i32
      %cond3A_105 = arith.cmpi ne, %convert_element_type3A_103, %cond3A_104 : i32
      scf.if %cond3A_105 {
        %add3A_214 = arith.constant 3 : i32
        %add3A_215 = arith.addi %add3A_73, %add3A_214 : i32
        %dma_start3A_216 = arith.constant 0 : i32
        %dma_start3A_217 = tpu.memref_slice %arg6[%add3A_215, %dma_start3A_216] : memref<320x80xi32, #tpu.memory_space<vmem>> -> memref<1x80xi32, #tpu.memory_space<vmem>>
        %dma_start3A_218 = tpu.memref_squeeze %dma_start3A_217 : memref<1x80xi32, #tpu.memory_space<vmem>> -> memref<80xi32, #tpu.memory_space<vmem>>
        %dma_start3A_219 = arith.constant 0 : i32
        %dma_start3A_220 = arith.constant 0 : i32
        %dma_start3A_221 = tpu.memref_slice %arg3[%dma_start3A_219, %dma_start3A_220] : memref<1000000x128xf32, #tpu.memory_space<hbm>> -> memref<1000000x128xf32, #tpu.memory_space<hbm>>
        tpu.enqueue_indirect_dma source(%dma_start3A_221 : memref<1000000x128xf32, #tpu.memory_space<hbm>>) target(%arg12 : memref<80x128xf32, #tpu.memory_space<vmem>>) offsets(%dma_start3A_218 : memref<80xi32, #tpu.memory_space<vmem>>) semaphore(%arg17 : memref<!tpu.dma_semaphore, #tpu.memory_space<semaphore_mem>>)
      } else {
      }
      %mul3A_106 = arith.constant 5 : i32
      %mul3A_107 = arith.muli %scan3A_37, %mul3A_106 : i32
      %add3A_108 = arith.constant 2 : i32
      %add3A_109 = arith.addi %mul3A_107, %add3A_108 : i32
      %dma_wait3A_110 = arith.constant 0 : i32
      %dma_wait3A_111 = arith.constant 0 : i32
      %dma_wait3A_112 = tpu.memref_slice %arg6[%dma_wait3A_110, %dma_wait3A_111] : memref<320x80xi32, #tpu.memory_space<vmem>> -> memref<1x80xi32, #tpu.memory_space<vmem>>
      %dma_wait3A_113 = tpu.memref_squeeze %dma_wait3A_112 : memref<1x80xi32, #tpu.memory_space<vmem>> -> memref<80xi32, #tpu.memory_space<vmem>>
      %dma_wait3A_114 = arith.constant 0 : i32
      %dma_wait3A_115 = arith.constant 0 : i32
      %dma_wait3A_116 = tpu.memref_slice %arg3[%dma_wait3A_114, %dma_wait3A_115] : memref<1000000x128xf32, #tpu.memory_space<hbm>> -> memref<1000000x128xf32, #tpu.memory_space<hbm>>
      tpu.wait_indirect_dma semaphore(%arg15 : memref<!tpu.dma_semaphore, #tpu.memory_space<semaphore_mem>>) src(%dma_wait3A_116 : memref<1000000x128xf32, #tpu.memory_space<hbm>>) dst(%arg10 : memref<80x128xf32, #tpu.memory_space<vmem>>)
      %scan3A_117 = arith.constant 0 : i32
      %scan3A_118 = arith.constant 0 : i32
      %scan3A_119 = arith.constant 40 : i32
      %scan3A_120 = arith.addi %scan3A_118, %scan3A_119 : i32
      %scan3A_121 = arith.constant 1 : i32
      scf.for %scan3A_214 = %scan3A_118 to %scan3A_120 step %scan3A_121  : i32 {
        %mul3A_215 = arith.constant 2 : i32
        %mul3A_216 = arith.muli %scan3A_214, %mul3A_215 : i32
        %add3A_217 = arith.constant 0 : i32
        %add3A_218 = arith.addi %mul3A_216, %add3A_217 : i32
        %add3A_219 = arith.constant 160 : i32
        %add3A_220 = arith.addi %add3A_219, %mul3A_216 : i32
        %add3A_221 = arith.constant 0 : i32
        %add3A_222 = arith.addi %add3A_220, %add3A_221 : i32
        %get3A = arith.index_cast %add3A_222 : i32 to index
        %get3A_223 = arith.constant 0 : index
        %get3A_224 = tpu.vector_load %arg7[%get3A, %get3A_223] {strides = array<i32>} : memref<240x128xf32, #tpu.memory_space<vmem>>, vector<1x16xf32>,
        %get3A_225 = vector.shape_cast %get3A_224 : vector<1x16xf32> to vector<16xf32>
        %swap3A = arith.index_cast %add3A_218 : i32 to index
        %swap3A_226 = arith.constant 0 : index
        %swap3A_227 = tpu.vector_load %arg10[%swap3A, %swap3A_226] {strides = array<i32>} : memref<80x128xf32, #tpu.memory_space<vmem>>, vector<1x16xf32>,
        %swap3A_228 = vector.shape_cast %swap3A_227 : vector<1x16xf32> to vector<16xf32>
        %swap3A_229 = vector.shape_cast %get3A_225 : vector<16xf32> to vector<1x16xf32>
        tpu.vector_store %arg10[%swap3A, %swap3A_226], %swap3A_229 {add = true, strides = array<i32>} : memref<80x128xf32, #tpu.memory_space<vmem>>, vector<1x16xf32>,
        %add3A_230 = arith.constant 0 : i32
        %add3A_231 = arith.addi %mul3A_216, %add3A_230 : i32
        %add3A_232 = arith.constant 160 : i32
        %add3A_233 = arith.addi %add3A_232, %mul3A_216 : i32
        %add3A_234 = arith.constant 0 : i32
        %add3A_235 = arith.addi %add3A_233, %add3A_234 : i32
        %get3A_236 = arith.index_cast %add3A_235 : i32 to index
        %get3A_237 = arith.constant 16 : index
        %get3A_238 = tpu.vector_load %arg7[%get3A_236, %get3A_237] {strides = array<i32>} : memref<240x128xf32, #tpu.memory_space<vmem>>, vector<1x16xf32>,
        %get3A_239 = vector.shape_cast %get3A_238 : vector<1x16xf32> to vector<16xf32>
        %swap3A_240 = arith.index_cast %add3A_231 : i32 to index
        %swap3A_241 = arith.constant 16 : index
        %swap3A_242 = tpu.vector_load %arg10[%swap3A_240, %swap3A_241] {strides = array<i32>} : memref<80x128xf32, #tpu.memory_space<vmem>>, vector<1x16xf32>,
        %swap3A_243 = vector.shape_cast %swap3A_242 : vector<1x16xf32> to vector<16xf32>
        %swap3A_244 = vector.shape_cast %get3A_239 : vector<16xf32> to vector<1x16xf32>
        tpu.vector_store %arg10[%swap3A_240, %swap3A_241], %swap3A_244 {add = true, strides = array<i32>} : memref<80x128xf32, #tpu.memory_space<vmem>>, vector<1x16xf32>,
        %add3A_245 = arith.constant 0 : i32
        %add3A_246 = arith.addi %mul3A_216, %add3A_245 : i32
        %add3A_247 = arith.constant 160 : i32
        %add3A_248 = arith.addi %add3A_247, %mul3A_216 : i32
        %add3A_249 = arith.constant 0 : i32
        %add3A_250 = arith.addi %add3A_248, %add3A_249 : i32
        %get3A_251 = arith.index_cast %add3A_250 : i32 to index
        %get3A_252 = arith.constant 32 : index
        %get3A_253 = tpu.vector_load %arg7[%get3A_251, %get3A_252] {strides = array<i32>} : memref<240x128xf32, #tpu.memory_space<vmem>>, vector<1x16xf32>,
        %get3A_254 = vector.shape_cast %get3A_253 : vector<1x16xf32> to vector<16xf32>
        %swap3A_255 = arith.index_cast %add3A_246 : i32 to index
        %swap3A_256 = arith.constant 32 : index
        %swap3A_257 = tpu.vector_load %arg10[%swap3A_255, %swap3A_256] {strides = array<i32>} : memref<80x128xf32, #tpu.memory_space<vmem>>, vector<1x16xf32>,
        %swap3A_258 = vector.shape_cast %swap3A_257 : vector<1x16xf32> to vector<16xf32>
        %swap3A_259 = vector.shape_cast %get3A_254 : vector<16xf32> to vector<1x16xf32>
        tpu.vector_store %arg10[%swap3A_255, %swap3A_256], %swap3A_259 {add = true, strides = array<i32>} : memref<80x128xf32, #tpu.memory_space<vmem>>, vector<1x16xf32>,
        %add3A_260 = arith.constant 0 : i32
        %add3A_261 = arith.addi %mul3A_216, %add3A_260 : i32
        %add3A_262 = arith.constant 160 : i32
        %add3A_263 = arith.addi %add3A_262, %mul3A_216 : i32
        %add3A_264 = arith.constant 0 : i32
        %add3A_265 = arith.addi %add3A_263, %add3A_264 : i32
        %get3A_266 = arith.index_cast %add3A_265 : i32 to index
        %get3A_267 = arith.constant 48 : index
        %get3A_268 = tpu.vector_load %arg7[%get3A_266, %get3A_267] {strides = array<i32>} : memref<240x128xf32, #tpu.memory_space<vmem>>, vector<1x16xf32>,
        %get3A_269 = vector.shape_cast %get3A_268 : vector<1x16xf32> to vector<16xf32>
        %swap3A_270 = arith.index_cast %add3A_261 : i32 to index
        %swap3A_271 = arith.constant 48 : index
        %swap3A_272 = tpu.vector_load %arg10[%swap3A_270, %swap3A_271] {strides = array<i32>} : memref<80x128xf32, #tpu.memory_space<vmem>>, vector<1x16xf32>,
        %swap3A_273 = vector.shape_cast %swap3A_272 : vector<1x16xf32> to vector<16xf32>
        %swap3A_274 = vector.shape_cast %get3A_269 : vector<16xf32> to vector<1x16xf32>
        tpu.vector_store %arg10[%swap3A_270, %swap3A_271], %swap3A_274 {add = true, strides = array<i32>} : memref<80x128xf32, #tpu.memory_space<vmem>>, vector<1x16xf32>,
        %add3A_275 = arith.constant 0 : i32
        %add3A_276 = arith.addi %mul3A_216, %add3A_275 : i32
        %add3A_277 = arith.constant 160 : i32
        %add3A_278 = arith.addi %add3A_277, %mul3A_216 : i32
        %add3A_279 = arith.constant 0 : i32
        %add3A_280 = arith.addi %add3A_278, %add3A_279 : i32
        %get3A_281 = arith.index_cast %add3A_280 : i32 to index
        %get3A_282 = arith.constant 64 : index
        %get3A_283 = tpu.vector_load %arg7[%get3A_281, %get3A_282] {strides = array<i32>} : memref<240x128xf32, #tpu.memory_space<vmem>>, vector<1x16xf32>,
        %get3A_284 = vector.shape_cast %get3A_283 : vector<1x16xf32> to vector<16xf32>
        %swap3A_285 = arith.index_cast %add3A_276 : i32 to index
        %swap3A_286 = arith.constant 64 : index
        %swap3A_287 = tpu.vector_load %arg10[%swap3A_285, %swap3A_286] {strides = array<i32>} : memref<80x128xf32, #tpu.memory_space<vmem>>, vector<1x16xf32>,
        %swap3A_288 = vector.shape_cast %swap3A_287 : vector<1x16xf32> to vector<16xf32>
        %swap3A_289 = vector.shape_cast %get3A_284 : vector<16xf32> to vector<1x16xf32>
        tpu.vector_store %arg10[%swap3A_285, %swap3A_286], %swap3A_289 {add = true, strides = array<i32>} : memref<80x128xf32, #tpu.memory_space<vmem>>, vector<1x16xf32>,
        %add3A_290 = arith.constant 0 : i32
        %add3A_291 = arith.addi %mul3A_216, %add3A_290 : i32
        %add3A_292 = arith.constant 160 : i32
        %add3A_293 = arith.addi %add3A_292, %mul3A_216 : i32
        %add3A_294 = arith.constant 0 : i32
        %add3A_295 = arith.addi %add3A_293, %add3A_294 : i32
        %get3A_296 = arith.index_cast %add3A_295 : i32 to index
        %get3A_297 = arith.constant 80 : index
        %get3A_298 = tpu.vector_load %arg7[%get3A_296, %get3A_297] {strides = array<i32>} : memref<240x128xf32, #tpu.memory_space<vmem>>, vector<1x16xf32>,
        %get3A_299 = vector.shape_cast %get3A_298 : vector<1x16xf32> to vector<16xf32>
        %swap3A_300 = arith.index_cast %add3A_291 : i32 to index
        %swap3A_301 = arith.constant 80 : index
        %swap3A_302 = tpu.vector_load %arg10[%swap3A_300, %swap3A_301] {strides = array<i32>} : memref<80x128xf32, #tpu.memory_space<vmem>>, vector<1x16xf32>,
        %swap3A_303 = vector.shape_cast %swap3A_302 : vector<1x16xf32> to vector<16xf32>
        %swap3A_304 = vector.shape_cast %get3A_299 : vector<16xf32> to vector<1x16xf32>
        tpu.vector_store %arg10[%swap3A_300, %swap3A_301], %swap3A_304 {add = true, strides = array<i32>} : memref<80x128xf32, #tpu.memory_space<vmem>>, vector<1x16xf32>,
        %add3A_305 = arith.constant 0 : i32
        %add3A_306 = arith.addi %mul3A_216, %add3A_305 : i32
        %add3A_307 = arith.constant 160 : i32
        %add3A_308 = arith.addi %add3A_307, %mul3A_216 : i32
        %add3A_309 = arith.constant 0 : i32
        %add3A_310 = arith.addi %add3A_308, %add3A_309 : i32
        %get3A_311 = arith.index_cast %add3A_310 : i32 to index
        %get3A_312 = arith.constant 96 : index
        %get3A_313 = tpu.vector_load %arg7[%get3A_311, %get3A_312] {strides = array<i32>} : memref<240x128xf32, #tpu.memory_space<vmem>>, vector<1x16xf32>,
        %get3A_314 = vector.shape_cast %get3A_313 : vector<1x16xf32> to vector<16xf32>
        %swap3A_315 = arith.index_cast %add3A_306 : i32 to index
        %swap3A_316 = arith.constant 96 : index
        %swap3A_317 = tpu.vector_load %arg10[%swap3A_315, %swap3A_316] {strides = array<i32>} : memref<80x128xf32, #tpu.memory_space<vmem>>, vector<1x16xf32>,
        %swap3A_318 = vector.shape_cast %swap3A_317 : vector<1x16xf32> to vector<16xf32>
        %swap3A_319 = vector.shape_cast %get3A_314 : vector<16xf32> to vector<1x16xf32>
        tpu.vector_store %arg10[%swap3A_315, %swap3A_316], %swap3A_319 {add = true, strides = array<i32>} : memref<80x128xf32, #tpu.memory_space<vmem>>, vector<1x16xf32>,
        %add3A_320 = arith.constant 0 : i32
        %add3A_321 = arith.addi %mul3A_216, %add3A_320 : i32
        %add3A_322 = arith.constant 160 : i32
        %add3A_323 = arith.addi %add3A_322, %mul3A_216 : i32
        %add3A_324 = arith.constant 0 : i32
        %add3A_325 = arith.addi %add3A_323, %add3A_324 : i32
        %get3A_326 = arith.index_cast %add3A_325 : i32 to index
        %get3A_327 = arith.constant 112 : index
        %get3A_328 = tpu.vector_load %arg7[%get3A_326, %get3A_327] {strides = array<i32>} : memref<240x128xf32, #tpu.memory_space<vmem>>, vector<1x16xf32>,
        %get3A_329 = vector.shape_cast %get3A_328 : vector<1x16xf32> to vector<16xf32>
        %swap3A_330 = arith.index_cast %add3A_321 : i32 to index
        %swap3A_331 = arith.constant 112 : index
        %swap3A_332 = tpu.vector_load %arg10[%swap3A_330, %swap3A_331] {strides = array<i32>} : memref<80x128xf32, #tpu.memory_space<vmem>>, vector<1x16xf32>,
        %swap3A_333 = vector.shape_cast %swap3A_332 : vector<1x16xf32> to vector<16xf32>
        %swap3A_334 = vector.shape_cast %get3A_329 : vector<16xf32> to vector<1x16xf32>
        tpu.vector_store %arg10[%swap3A_330, %swap3A_331], %swap3A_334 {add = true, strides = array<i32>} : memref<80x128xf32, #tpu.memory_space<vmem>>, vector<1x16xf32>,
        %add3A_335 = arith.constant 1 : i32
        %add3A_336 = arith.addi %mul3A_216, %add3A_335 : i32
        %add3A_337 = arith.constant 160 : i32
        %add3A_338 = arith.addi %add3A_337, %mul3A_216 : i32
        %add3A_339 = arith.constant 1 : i32
        %add3A_340 = arith.addi %add3A_338, %add3A_339 : i32
        %get3A_341 = arith.index_cast %add3A_340 : i32 to index
        %get3A_342 = arith.constant 0 : index
        %get3A_343 = tpu.vector_load %arg7[%get3A_341, %get3A_342] {strides = array<i32>} : memref<240x128xf32, #tpu.memory_space<vmem>>, vector<1x16xf32>,
        %get3A_344 = vector.shape_cast %get3A_343 : vector<1x16xf32> to vector<16xf32>
        %swap3A_345 = arith.index_cast %add3A_336 : i32 to index
        %swap3A_346 = arith.constant 0 : index
        %swap3A_347 = tpu.vector_load %arg10[%swap3A_345, %swap3A_346] {strides = array<i32>} : memref<80x128xf32, #tpu.memory_space<vmem>>, vector<1x16xf32>,
        %swap3A_348 = vector.shape_cast %swap3A_347 : vector<1x16xf32> to vector<16xf32>
        %swap3A_349 = vector.shape_cast %get3A_344 : vector<16xf32> to vector<1x16xf32>
        tpu.vector_store %arg10[%swap3A_345, %swap3A_346], %swap3A_349 {add = true, strides = array<i32>} : memref<80x128xf32, #tpu.memory_space<vmem>>, vector<1x16xf32>,
        %add3A_350 = arith.constant 1 : i32
        %add3A_351 = arith.addi %mul3A_216, %add3A_350 : i32
        %add3A_352 = arith.constant 160 : i32
        %add3A_353 = arith.addi %add3A_352, %mul3A_216 : i32
        %add3A_354 = arith.constant 1 : i32
        %add3A_355 = arith.addi %add3A_353, %add3A_354 : i32
        %get3A_356 = arith.index_cast %add3A_355 : i32 to index
        %get3A_357 = arith.constant 16 : index
        %get3A_358 = tpu.vector_load %arg7[%get3A_356, %get3A_357] {strides = array<i32>} : memref<240x128xf32, #tpu.memory_space<vmem>>, vector<1x16xf32>,
        %get3A_359 = vector.shape_cast %get3A_358 : vector<1x16xf32> to vector<16xf32>
        %swap3A_360 = arith.index_cast %add3A_351 : i32 to index
        %swap3A_361 = arith.constant 16 : index
        %swap3A_362 = tpu.vector_load %arg10[%swap3A_360, %swap3A_361] {strides = array<i32>} : memref<80x128xf32, #tpu.memory_space<vmem>>, vector<1x16xf32>,
        %swap3A_363 = vector.shape_cast %swap3A_362 : vector<1x16xf32> to vector<16xf32>
        %swap3A_364 = vector.shape_cast %get3A_359 : vector<16xf32> to vector<1x16xf32>
        tpu.vector_store %arg10[%swap3A_360, %swap3A_361], %swap3A_364 {add = true, strides = array<i32>} : memref<80x128xf32, #tpu.memory_space<vmem>>, vector<1x16xf32>,
        %add3A_365 = arith.constant 1 : i32
        %add3A_366 = arith.addi %mul3A_216, %add3A_365 : i32
        %add3A_367 = arith.constant 160 : i32
        %add3A_368 = arith.addi %add3A_367, %mul3A_216 : i32
        %add3A_369 = arith.constant 1 : i32
        %add3A_370 = arith.addi %add3A_368, %add3A_369 : i32
        %get3A_371 = arith.index_cast %add3A_370 : i32 to index
        %get3A_372 = arith.constant 32 : index
        %get3A_373 = tpu.vector_load %arg7[%get3A_371, %get3A_372] {strides = array<i32>} : memref<240x128xf32, #tpu.memory_space<vmem>>, vector<1x16xf32>,
        %get3A_374 = vector.shape_cast %get3A_373 : vector<1x16xf32> to vector<16xf32>
        %swap3A_375 = arith.index_cast %add3A_366 : i32 to index
        %swap3A_376 = arith.constant 32 : index
        %swap3A_377 = tpu.vector_load %arg10[%swap3A_375, %swap3A_376] {strides = array<i32>} : memref<80x128xf32, #tpu.memory_space<vmem>>, vector<1x16xf32>,
        %swap3A_378 = vector.shape_cast %swap3A_377 : vector<1x16xf32> to vector<16xf32>
        %swap3A_379 = vector.shape_cast %get3A_374 : vector<16xf32> to vector<1x16xf32>
        tpu.vector_store %arg10[%swap3A_375, %swap3A_376], %swap3A_379 {add = true, strides = array<i32>} : memref<80x128xf32, #tpu.memory_space<vmem>>, vector<1x16xf32>,
        %add3A_380 = arith.constant 1 : i32
        %add3A_381 = arith.addi %mul3A_216, %add3A_380 : i32
        %add3A_382 = arith.constant 160 : i32
        %add3A_383 = arith.addi %add3A_382, %mul3A_216 : i32
        %add3A_384 = arith.constant 1 : i32
        %add3A_385 = arith.addi %add3A_383, %add3A_384 : i32
        %get3A_386 = arith.index_cast %add3A_385 : i32 to index
        %get3A_387 = arith.constant 48 : index
        %get3A_388 = tpu.vector_load %arg7[%get3A_386, %get3A_387] {strides = array<i32>} : memref<240x128xf32, #tpu.memory_space<vmem>>, vector<1x16xf32>,
        %get3A_389 = vector.shape_cast %get3A_388 : vector<1x16xf32> to vector<16xf32>
        %swap3A_390 = arith.index_cast %add3A_381 : i32 to index
        %swap3A_391 = arith.constant 48 : index
        %swap3A_392 = tpu.vector_load %arg10[%swap3A_390, %swap3A_391] {strides = array<i32>} : memref<80x128xf32, #tpu.memory_space<vmem>>, vector<1x16xf32>,
        %swap3A_393 = vector.shape_cast %swap3A_392 : vector<1x16xf32> to vector<16xf32>
        %swap3A_394 = vector.shape_cast %get3A_389 : vector<16xf32> to vector<1x16xf32>
        tpu.vector_store %arg10[%swap3A_390, %swap3A_391], %swap3A_394 {add = true, strides = array<i32>} : memref<80x128xf32, #tpu.memory_space<vmem>>, vector<1x16xf32>,
        %add3A_395 = arith.constant 1 : i32
        %add3A_396 = arith.addi %mul3A_216, %add3A_395 : i32
        %add3A_397 = arith.constant 160 : i32
        %add3A_398 = arith.addi %add3A_397, %mul3A_216 : i32
        %add3A_399 = arith.constant 1 : i32
        %add3A_400 = arith.addi %add3A_398, %add3A_399 : i32
        %get3A_401 = arith.index_cast %add3A_400 : i32 to index
        %get3A_402 = arith.constant 64 : index
        %get3A_403 = tpu.vector_load %arg7[%get3A_401, %get3A_402] {strides = array<i32>} : memref<240x128xf32, #tpu.memory_space<vmem>>, vector<1x16xf32>,
        %get3A_404 = vector.shape_cast %get3A_403 : vector<1x16xf32> to vector<16xf32>
        %swap3A_405 = arith.index_cast %add3A_396 : i32 to index
        %swap3A_406 = arith.constant 64 : index
        %swap3A_407 = tpu.vector_load %arg10[%swap3A_405, %swap3A_406] {strides = array<i32>} : memref<80x128xf32, #tpu.memory_space<vmem>>, vector<1x16xf32>,
        %swap3A_408 = vector.shape_cast %swap3A_407 : vector<1x16xf32> to vector<16xf32>
        %swap3A_409 = vector.shape_cast %get3A_404 : vector<16xf32> to vector<1x16xf32>
        tpu.vector_store %arg10[%swap3A_405, %swap3A_406], %swap3A_409 {add = true, strides = array<i32>} : memref<80x128xf32, #tpu.memory_space<vmem>>, vector<1x16xf32>,
        %add3A_410 = arith.constant 1 : i32
        %add3A_411 = arith.addi %mul3A_216, %add3A_410 : i32
        %add3A_412 = arith.constant 160 : i32
        %add3A_413 = arith.addi %add3A_412, %mul3A_216 : i32
        %add3A_414 = arith.constant 1 : i32
        %add3A_415 = arith.addi %add3A_413, %add3A_414 : i32
        %get3A_416 = arith.index_cast %add3A_415 : i32 to index
        %get3A_417 = arith.constant 80 : index
        %get3A_418 = tpu.vector_load %arg7[%get3A_416, %get3A_417] {strides = array<i32>} : memref<240x128xf32, #tpu.memory_space<vmem>>, vector<1x16xf32>,
        %get3A_419 = vector.shape_cast %get3A_418 : vector<1x16xf32> to vector<16xf32>
        %swap3A_420 = arith.index_cast %add3A_411 : i32 to index
        %swap3A_421 = arith.constant 80 : index
        %swap3A_422 = tpu.vector_load %arg10[%swap3A_420, %swap3A_421] {strides = array<i32>} : memref<80x128xf32, #tpu.memory_space<vmem>>, vector<1x16xf32>,
        %swap3A_423 = vector.shape_cast %swap3A_422 : vector<1x16xf32> to vector<16xf32>
        %swap3A_424 = vector.shape_cast %get3A_419 : vector<16xf32> to vector<1x16xf32>
        tpu.vector_store %arg10[%swap3A_420, %swap3A_421], %swap3A_424 {add = true, strides = array<i32>} : memref<80x128xf32, #tpu.memory_space<vmem>>, vector<1x16xf32>,
        %add3A_425 = arith.constant 1 : i32
        %add3A_426 = arith.addi %mul3A_216, %add3A_425 : i32
        %add3A_427 = arith.constant 160 : i32
        %add3A_428 = arith.addi %add3A_427, %mul3A_216 : i32
        %add3A_429 = arith.constant 1 : i32
        %add3A_430 = arith.addi %add3A_428, %add3A_429 : i32
        %get3A_431 = arith.index_cast %add3A_430 : i32 to index
        %get3A_432 = arith.constant 96 : index
        %get3A_433 = tpu.vector_load %arg7[%get3A_431, %get3A_432] {strides = array<i32>} : memref<240x128xf32, #tpu.memory_space<vmem>>, vector<1x16xf32>,
        %get3A_434 = vector.shape_cast %get3A_433 : vector<1x16xf32> to vector<16xf32>
        %swap3A_435 = arith.index_cast %add3A_426 : i32 to index
        %swap3A_436 = arith.constant 96 : index
        %swap3A_437 = tpu.vector_load %arg10[%swap3A_435, %swap3A_436] {strides = array<i32>} : memref<80x128xf32, #tpu.memory_space<vmem>>, vector<1x16xf32>,
        %swap3A_438 = vector.shape_cast %swap3A_437 : vector<1x16xf32> to vector<16xf32>
        %swap3A_439 = vector.shape_cast %get3A_434 : vector<16xf32> to vector<1x16xf32>
        tpu.vector_store %arg10[%swap3A_435, %swap3A_436], %swap3A_439 {add = true, strides = array<i32>} : memref<80x128xf32, #tpu.memory_space<vmem>>, vector<1x16xf32>,
        %add3A_440 = arith.constant 1 : i32
        %add3A_441 = arith.addi %mul3A_216, %add3A_440 : i32
        %add3A_442 = arith.constant 160 : i32
        %add3A_443 = arith.addi %add3A_442, %mul3A_216 : i32
        %add3A_444 = arith.constant 1 : i32
        %add3A_445 = arith.addi %add3A_443, %add3A_444 : i32
        %get3A_446 = arith.index_cast %add3A_445 : i32 to index
        %get3A_447 = arith.constant 112 : index
        %get3A_448 = tpu.vector_load %arg7[%get3A_446, %get3A_447] {strides = array<i32>} : memref<240x128xf32, #tpu.memory_space<vmem>>, vector<1x16xf32>,
        %get3A_449 = vector.shape_cast %get3A_448 : vector<1x16xf32> to vector<16xf32>
        %swap3A_450 = arith.index_cast %add3A_441 : i32 to index
        %swap3A_451 = arith.constant 112 : index
        %swap3A_452 = tpu.vector_load %arg10[%swap3A_450, %swap3A_451] {strides = array<i32>} : memref<80x128xf32, #tpu.memory_space<vmem>>, vector<1x16xf32>,
        %swap3A_453 = vector.shape_cast %swap3A_452 : vector<1x16xf32> to vector<16xf32>
        %swap3A_454 = vector.shape_cast %get3A_449 : vector<16xf32> to vector<1x16xf32>
        tpu.vector_store %arg10[%swap3A_450, %swap3A_451], %swap3A_454 {add = true, strides = array<i32>} : memref<80x128xf32, #tpu.memory_space<vmem>>, vector<1x16xf32>,
      }
      %scan3A_122 = arith.constant 40 : i32
      %mul3A_123 = arith.constant 80 : i32
      %mul3A_124 = arith.muli %add3A_109, %mul3A_123 : i32
      %add3A_125 = arith.addi %mul3A_2, %mul3A_124 : i32
      %dma_start3A_126 = arith.constant 0 : i32
      %dma_start3A_127 = tpu.memref_slice %arg5[%add3A_125, %dma_start3A_126] : memref<819200x128xf32, #tpu.memory_space<hbm>> -> memref<80x128xf32, #tpu.memory_space<hbm>>
      %dma_start3A_128 = arith.constant 0 : i32
      %dma_start3A_129 = tpu.memref_slice %arg5[%add3A_125, %dma_start3A_128] : memref<819200x128xf32, #tpu.memory_space<hbm>> -> memref<80x128xf32, #tpu.memory_space<hbm>>
      tpu.enqueue_dma source(%arg10 : memref<80x128xf32, #tpu.memory_space<vmem>>) target(%dma_start3A_129 : memref<80x128xf32, #tpu.memory_space<hbm>>) target_semaphore(%arg20 : memref<!tpu.dma_semaphore, #tpu.memory_space<semaphore_mem>>)
      %ge3A_130 = arith.constant 2 : i32
      %ge3A_131 = arith.cmpi sge, %add3A_109, %ge3A_130 : i32
      %convert_element_type3A_132 = arith.extui %ge3A_131 : i1 to i32
      %cond3A_133 = arith.constant 0 : i32
      %cond3A_134 = arith.cmpi ne, %convert_element_type3A_132, %cond3A_133 : i32
      scf.if %cond3A_134 {
        %dma_wait3A_214 = arith.constant 0 : i32
        %dma_wait3A_215 = tpu.memref_slice %arg5[%mul3A_2, %dma_wait3A_214] : memref<819200x128xf32, #tpu.memory_space<hbm>> -> memref<80x128xf32, #tpu.memory_space<hbm>>
        %dma_wait3A_216 = arith.constant 0 : i32
        %dma_wait3A_217 = tpu.memref_slice %arg5[%mul3A_2, %dma_wait3A_216] : memref<819200x128xf32, #tpu.memory_space<hbm>> -> memref<80x128xf32, #tpu.memory_space<hbm>>
        tpu.wait_dma2 semaphore(%arg18 : memref<!tpu.dma_semaphore, #tpu.memory_space<semaphore_mem>>) src(%arg8 : memref<80x128xf32, #tpu.memory_space<vmem>>) dst(%dma_wait3A_217 : memref<80x128xf32, #tpu.memory_space<hbm>>)
      } else {
      }
      %add3A_135 = arith.constant 3 : i32
      %add3A_136 = arith.addi %add3A_109, %add3A_135 : i32
      %lt3A_137 = arith.constant 320 : i32
      %lt3A_138 = arith.cmpi slt, %add3A_136, %lt3A_137 : i32
      %convert_element_type3A_139 = arith.extui %lt3A_138 : i1 to i32
      %cond3A_140 = arith.constant 0 : i32
      %cond3A_141 = arith.cmpi ne, %convert_element_type3A_139, %cond3A_140 : i32
      scf.if %cond3A_141 {
        %add3A_214 = arith.constant 3 : i32
        %add3A_215 = arith.addi %add3A_109, %add3A_214 : i32
        %dma_start3A_216 = arith.constant 0 : i32
        %dma_start3A_217 = tpu.memref_slice %arg6[%add3A_215, %dma_start3A_216] : memref<320x80xi32, #tpu.memory_space<vmem>> -> memref<1x80xi32, #tpu.memory_space<vmem>>
        %dma_start3A_218 = tpu.memref_squeeze %dma_start3A_217 : memref<1x80xi32, #tpu.memory_space<vmem>> -> memref<80xi32, #tpu.memory_space<vmem>>
        %dma_start3A_219 = arith.constant 0 : i32
        %dma_start3A_220 = arith.constant 0 : i32
        %dma_start3A_221 = tpu.memref_slice %arg3[%dma_start3A_219, %dma_start3A_220] : memref<1000000x128xf32, #tpu.memory_space<hbm>> -> memref<1000000x128xf32, #tpu.memory_space<hbm>>
        tpu.enqueue_indirect_dma source(%dma_start3A_221 : memref<1000000x128xf32, #tpu.memory_space<hbm>>) target(%arg8 : memref<80x128xf32, #tpu.memory_space<vmem>>) offsets(%dma_start3A_218 : memref<80xi32, #tpu.memory_space<vmem>>) semaphore(%arg13 : memref<!tpu.dma_semaphore, #tpu.memory_space<semaphore_mem>>)
      } else {
      }
      %mul3A_142 = arith.constant 5 : i32
      %mul3A_143 = arith.muli %scan3A_37, %mul3A_142 : i32
      %add3A_144 = arith.constant 3 : i32
      %add3A_145 = arith.addi %mul3A_143, %add3A_144 : i32
      %dma_wait3A_146 = arith.constant 0 : i32
      %dma_wait3A_147 = arith.constant 0 : i32
      %dma_wait3A_148 = tpu.memref_slice %arg6[%dma_wait3A_146, %dma_wait3A_147] : memref<320x80xi32, #tpu.memory_space<vmem>> -> memref<1x80xi32, #tpu.memory_space<vmem>>
      %dma_wait3A_149 = tpu.memref_squeeze %dma_wait3A_148 : memref<1x80xi32, #tpu.memory_space<vmem>> -> memref<80xi32, #tpu.memory_space<vmem>>
      %dma_wait3A_150 = arith.constant 0 : i32
      %dma_wait3A_151 = arith.constant 0 : i32
      %dma_wait3A_152 = tpu.memref_slice %arg3[%dma_wait3A_150, %dma_wait3A_151] : memref<1000000x128xf32, #tpu.memory_space<hbm>> -> memref<1000000x128xf32, #tpu.memory_space<hbm>>
      tpu.wait_indirect_dma semaphore(%arg16 : memref<!tpu.dma_semaphore, #tpu.memory_space<semaphore_mem>>) src(%dma_wait3A_152 : memref<1000000x128xf32, #tpu.memory_space<hbm>>) dst(%arg11 : memref<80x128xf32, #tpu.memory_space<vmem>>)
      %scan3A_153 = arith.constant 0 : i32
      %scan3A_154 = arith.constant 0 : i32
      %scan3A_155 = arith.constant 40 : i32
      %scan3A_156 = arith.addi %scan3A_154, %scan3A_155 : i32
      %scan3A_157 = arith.constant 1 : i32
      scf.for %scan3A_214 = %scan3A_154 to %scan3A_156 step %scan3A_157  : i32 {
        %mul3A_215 = arith.constant 2 : i32
        %mul3A_216 = arith.muli %scan3A_214, %mul3A_215 : i32
        %add3A_217 = arith.constant 0 : i32
        %add3A_218 = arith.addi %mul3A_216, %add3A_217 : i32
        %add3A_219 = arith.constant 40 : i32
        %add3A_220 = arith.addi %add3A_219, %mul3A_216 : i32
        %add3A_221 = arith.constant 0 : i32
        %add3A_222 = arith.addi %add3A_220, %add3A_221 : i32
        %get3A = arith.index_cast %add3A_222 : i32 to index
        %get3A_223 = arith.constant 0 : index
        %get3A_224 = tpu.vector_load %arg7[%get3A, %get3A_223] {strides = array<i32>} : memref<240x128xf32, #tpu.memory_space<vmem>>, vector<1x16xf32>,
        %get3A_225 = vector.shape_cast %get3A_224 : vector<1x16xf32> to vector<16xf32>
        %swap3A = arith.index_cast %add3A_218 : i32 to index
        %swap3A_226 = arith.constant 0 : index
        %swap3A_227 = tpu.vector_load %arg11[%swap3A, %swap3A_226] {strides = array<i32>} : memref<80x128xf32, #tpu.memory_space<vmem>>, vector<1x16xf32>,
        %swap3A_228 = vector.shape_cast %swap3A_227 : vector<1x16xf32> to vector<16xf32>
        %swap3A_229 = vector.shape_cast %get3A_225 : vector<16xf32> to vector<1x16xf32>
        tpu.vector_store %arg11[%swap3A, %swap3A_226], %swap3A_229 {add = true, strides = array<i32>} : memref<80x128xf32, #tpu.memory_space<vmem>>, vector<1x16xf32>,
        %add3A_230 = arith.constant 0 : i32
        %add3A_231 = arith.addi %mul3A_216, %add3A_230 : i32
        %add3A_232 = arith.constant 40 : i32
        %add3A_233 = arith.addi %add3A_232, %mul3A_216 : i32
        %add3A_234 = arith.constant 0 : i32
        %add3A_235 = arith.addi %add3A_233, %add3A_234 : i32
        %get3A_236 = arith.index_cast %add3A_235 : i32 to index
        %get3A_237 = arith.constant 16 : index
        %get3A_238 = tpu.vector_load %arg7[%get3A_236, %get3A_237] {strides = array<i32>} : memref<240x128xf32, #tpu.memory_space<vmem>>, vector<1x16xf32>,
        %get3A_239 = vector.shape_cast %get3A_238 : vector<1x16xf32> to vector<16xf32>
        %swap3A_240 = arith.index_cast %add3A_231 : i32 to index
        %swap3A_241 = arith.constant 16 : index
        %swap3A_242 = tpu.vector_load %arg11[%swap3A_240, %swap3A_241] {strides = array<i32>} : memref<80x128xf32, #tpu.memory_space<vmem>>, vector<1x16xf32>,
        %swap3A_243 = vector.shape_cast %swap3A_242 : vector<1x16xf32> to vector<16xf32>
        %swap3A_244 = vector.shape_cast %get3A_239 : vector<16xf32> to vector<1x16xf32>
        tpu.vector_store %arg11[%swap3A_240, %swap3A_241], %swap3A_244 {add = true, strides = array<i32>} : memref<80x128xf32, #tpu.memory_space<vmem>>, vector<1x16xf32>,
        %add3A_245 = arith.constant 0 : i32
        %add3A_246 = arith.addi %mul3A_216, %add3A_245 : i32
        %add3A_247 = arith.constant 40 : i32
        %add3A_248 = arith.addi %add3A_247, %mul3A_216 : i32
        %add3A_249 = arith.constant 0 : i32
        %add3A_250 = arith.addi %add3A_248, %add3A_249 : i32
        %get3A_251 = arith.index_cast %add3A_250 : i32 to index
        %get3A_252 = arith.constant 32 : index
        %get3A_253 = tpu.vector_load %arg7[%get3A_251, %get3A_252] {strides = array<i32>} : memref<240x128xf32, #tpu.memory_space<vmem>>, vector<1x16xf32>,
        %get3A_254 = vector.shape_cast %get3A_253 : vector<1x16xf32> to vector<16xf32>
        %swap3A_255 = arith.index_cast %add3A_246 : i32 to index
        %swap3A_256 = arith.constant 32 : index
        %swap3A_257 = tpu.vector_load %arg11[%swap3A_255, %swap3A_256] {strides = array<i32>} : memref<80x128xf32, #tpu.memory_space<vmem>>, vector<1x16xf32>,
        %swap3A_258 = vector.shape_cast %swap3A_257 : vector<1x16xf32> to vector<16xf32>
        %swap3A_259 = vector.shape_cast %get3A_254 : vector<16xf32> to vector<1x16xf32>
        tpu.vector_store %arg11[%swap3A_255, %swap3A_256], %swap3A_259 {add = true, strides = array<i32>} : memref<80x128xf32, #tpu.memory_space<vmem>>, vector<1x16xf32>,
        %add3A_260 = arith.constant 0 : i32
        %add3A_261 = arith.addi %mul3A_216, %add3A_260 : i32
        %add3A_262 = arith.constant 40 : i32
        %add3A_263 = arith.addi %add3A_262, %mul3A_216 : i32
        %add3A_264 = arith.constant 0 : i32
        %add3A_265 = arith.addi %add3A_263, %add3A_264 : i32
        %get3A_266 = arith.index_cast %add3A_265 : i32 to index
        %get3A_267 = arith.constant 48 : index
        %get3A_268 = tpu.vector_load %arg7[%get3A_266, %get3A_267] {strides = array<i32>} : memref<240x128xf32, #tpu.memory_space<vmem>>, vector<1x16xf32>,
        %get3A_269 = vector.shape_cast %get3A_268 : vector<1x16xf32> to vector<16xf32>
        %swap3A_270 = arith.index_cast %add3A_261 : i32 to index
        %swap3A_271 = arith.constant 48 : index
        %swap3A_272 = tpu.vector_load %arg11[%swap3A_270, %swap3A_271] {strides = array<i32>} : memref<80x128xf32, #tpu.memory_space<vmem>>, vector<1x16xf32>,
        %swap3A_273 = vector.shape_cast %swap3A_272 : vector<1x16xf32> to vector<16xf32>
        %swap3A_274 = vector.shape_cast %get3A_269 : vector<16xf32> to vector<1x16xf32>
        tpu.vector_store %arg11[%swap3A_270, %swap3A_271], %swap3A_274 {add = true, strides = array<i32>} : memref<80x128xf32, #tpu.memory_space<vmem>>, vector<1x16xf32>,
        %add3A_275 = arith.constant 0 : i32
        %add3A_276 = arith.addi %mul3A_216, %add3A_275 : i32
        %add3A_277 = arith.constant 40 : i32
        %add3A_278 = arith.addi %add3A_277, %mul3A_216 : i32
        %add3A_279 = arith.constant 0 : i32
        %add3A_280 = arith.addi %add3A_278, %add3A_279 : i32
        %get3A_281 = arith.index_cast %add3A_280 : i32 to index
        %get3A_282 = arith.constant 64 : index
        %get3A_283 = tpu.vector_load %arg7[%get3A_281, %get3A_282] {strides = array<i32>} : memref<240x128xf32, #tpu.memory_space<vmem>>, vector<1x16xf32>,
        %get3A_284 = vector.shape_cast %get3A_283 : vector<1x16xf32> to vector<16xf32>
        %swap3A_285 = arith.index_cast %add3A_276 : i32 to index
        %swap3A_286 = arith.constant 64 : index
        %swap3A_287 = tpu.vector_load %arg11[%swap3A_285, %swap3A_286] {strides = array<i32>} : memref<80x128xf32, #tpu.memory_space<vmem>>, vector<1x16xf32>,
        %swap3A_288 = vector.shape_cast %swap3A_287 : vector<1x16xf32> to vector<16xf32>
        %swap3A_289 = vector.shape_cast %get3A_284 : vector<16xf32> to vector<1x16xf32>
        tpu.vector_store %arg11[%swap3A_285, %swap3A_286], %swap3A_289 {add = true, strides = array<i32>} : memref<80x128xf32, #tpu.memory_space<vmem>>, vector<1x16xf32>,
        %add3A_290 = arith.constant 0 : i32
        %add3A_291 = arith.addi %mul3A_216, %add3A_290 : i32
        %add3A_292 = arith.constant 40 : i32
        %add3A_293 = arith.addi %add3A_292, %mul3A_216 : i32
        %add3A_294 = arith.constant 0 : i32
        %add3A_295 = arith.addi %add3A_293, %add3A_294 : i32
        %get3A_296 = arith.index_cast %add3A_295 : i32 to index
        %get3A_297 = arith.constant 80 : index
        %get3A_298 = tpu.vector_load %arg7[%get3A_296, %get3A_297] {strides = array<i32>} : memref<240x128xf32, #tpu.memory_space<vmem>>, vector<1x16xf32>,
        %get3A_299 = vector.shape_cast %get3A_298 : vector<1x16xf32> to vector<16xf32>
        %swap3A_300 = arith.index_cast %add3A_291 : i32 to index
        %swap3A_301 = arith.constant 80 : index
        %swap3A_302 = tpu.vector_load %arg11[%swap3A_300, %swap3A_301] {strides = array<i32>} : memref<80x128xf32, #tpu.memory_space<vmem>>, vector<1x16xf32>,
        %swap3A_303 = vector.shape_cast %swap3A_302 : vector<1x16xf32> to vector<16xf32>
        %swap3A_304 = vector.shape_cast %get3A_299 : vector<16xf32> to vector<1x16xf32>
        tpu.vector_store %arg11[%swap3A_300, %swap3A_301], %swap3A_304 {add = true, strides = array<i32>} : memref<80x128xf32, #tpu.memory_space<vmem>>, vector<1x16xf32>,
        %add3A_305 = arith.constant 0 : i32
        %add3A_306 = arith.addi %mul3A_216, %add3A_305 : i32
        %add3A_307 = arith.constant 40 : i32
        %add3A_308 = arith.addi %add3A_307, %mul3A_216 : i32
        %add3A_309 = arith.constant 0 : i32
        %add3A_310 = arith.addi %add3A_308, %add3A_309 : i32
        %get3A_311 = arith.index_cast %add3A_310 : i32 to index
        %get3A_312 = arith.constant 96 : index
        %get3A_313 = tpu.vector_load %arg7[%get3A_311, %get3A_312] {strides = array<i32>} : memref<240x128xf32, #tpu.memory_space<vmem>>, vector<1x16xf32>,
        %get3A_314 = vector.shape_cast %get3A_313 : vector<1x16xf32> to vector<16xf32>
        %swap3A_315 = arith.index_cast %add3A_306 : i32 to index
        %swap3A_316 = arith.constant 96 : index
        %swap3A_317 = tpu.vector_load %arg11[%swap3A_315, %swap3A_316] {strides = array<i32>} : memref<80x128xf32, #tpu.memory_space<vmem>>, vector<1x16xf32>,
        %swap3A_318 = vector.shape_cast %swap3A_317 : vector<1x16xf32> to vector<16xf32>
        %swap3A_319 = vector.shape_cast %get3A_314 : vector<16xf32> to vector<1x16xf32>
        tpu.vector_store %arg11[%swap3A_315, %swap3A_316], %swap3A_319 {add = true, strides = array<i32>} : memref<80x128xf32, #tpu.memory_space<vmem>>, vector<1x16xf32>,
        %add3A_320 = arith.constant 0 : i32
        %add3A_321 = arith.addi %mul3A_216, %add3A_320 : i32
        %add3A_322 = arith.constant 40 : i32
        %add3A_323 = arith.addi %add3A_322, %mul3A_216 : i32
        %add3A_324 = arith.constant 0 : i32
        %add3A_325 = arith.addi %add3A_323, %add3A_324 : i32
        %get3A_326 = arith.index_cast %add3A_325 : i32 to index
        %get3A_327 = arith.constant 112 : index
        %get3A_328 = tpu.vector_load %arg7[%get3A_326, %get3A_327] {strides = array<i32>} : memref<240x128xf32, #tpu.memory_space<vmem>>, vector<1x16xf32>,
        %get3A_329 = vector.shape_cast %get3A_328 : vector<1x16xf32> to vector<16xf32>
        %swap3A_330 = arith.index_cast %add3A_321 : i32 to index
        %swap3A_331 = arith.constant 112 : index
        %swap3A_332 = tpu.vector_load %arg11[%swap3A_330, %swap3A_331] {strides = array<i32>} : memref<80x128xf32, #tpu.memory_space<vmem>>, vector<1x16xf32>,
        %swap3A_333 = vector.shape_cast %swap3A_332 : vector<1x16xf32> to vector<16xf32>
        %swap3A_334 = vector.shape_cast %get3A_329 : vector<16xf32> to vector<1x16xf32>
        tpu.vector_store %arg11[%swap3A_330, %swap3A_331], %swap3A_334 {add = true, strides = array<i32>} : memref<80x128xf32, #tpu.memory_space<vmem>>, vector<1x16xf32>,
        %add3A_335 = arith.constant 1 : i32
        %add3A_336 = arith.addi %mul3A_216, %add3A_335 : i32
        %add3A_337 = arith.constant 40 : i32
        %add3A_338 = arith.addi %add3A_337, %mul3A_216 : i32
        %add3A_339 = arith.constant 1 : i32
        %add3A_340 = arith.addi %add3A_338, %add3A_339 : i32
        %get3A_341 = arith.index_cast %add3A_340 : i32 to index
        %get3A_342 = arith.constant 0 : index
        %get3A_343 = tpu.vector_load %arg7[%get3A_341, %get3A_342] {strides = array<i32>} : memref<240x128xf32, #tpu.memory_space<vmem>>, vector<1x16xf32>,
        %get3A_344 = vector.shape_cast %get3A_343 : vector<1x16xf32> to vector<16xf32>
        %swap3A_345 = arith.index_cast %add3A_336 : i32 to index
        %swap3A_346 = arith.constant 0 : index
        %swap3A_347 = tpu.vector_load %arg11[%swap3A_345, %swap3A_346] {strides = array<i32>} : memref<80x128xf32, #tpu.memory_space<vmem>>, vector<1x16xf32>,
        %swap3A_348 = vector.shape_cast %swap3A_347 : vector<1x16xf32> to vector<16xf32>
        %swap3A_349 = vector.shape_cast %get3A_344 : vector<16xf32> to vector<1x16xf32>
        tpu.vector_store %arg11[%swap3A_345, %swap3A_346], %swap3A_349 {add = true, strides = array<i32>} : memref<80x128xf32, #tpu.memory_space<vmem>>, vector<1x16xf32>,
        %add3A_350 = arith.constant 1 : i32
        %add3A_351 = arith.addi %mul3A_216, %add3A_350 : i32
        %add3A_352 = arith.constant 40 : i32
        %add3A_353 = arith.addi %add3A_352, %mul3A_216 : i32
        %add3A_354 = arith.constant 1 : i32
        %add3A_355 = arith.addi %add3A_353, %add3A_354 : i32
        %get3A_356 = arith.index_cast %add3A_355 : i32 to index
        %get3A_357 = arith.constant 16 : index
        %get3A_358 = tpu.vector_load %arg7[%get3A_356, %get3A_357] {strides = array<i32>} : memref<240x128xf32, #tpu.memory_space<vmem>>, vector<1x16xf32>,
        %get3A_359 = vector.shape_cast %get3A_358 : vector<1x16xf32> to vector<16xf32>
        %swap3A_360 = arith.index_cast %add3A_351 : i32 to index
        %swap3A_361 = arith.constant 16 : index
        %swap3A_362 = tpu.vector_load %arg11[%swap3A_360, %swap3A_361] {strides = array<i32>} : memref<80x128xf32, #tpu.memory_space<vmem>>, vector<1x16xf32>,
        %swap3A_363 = vector.shape_cast %swap3A_362 : vector<1x16xf32> to vector<16xf32>
        %swap3A_364 = vector.shape_cast %get3A_359 : vector<16xf32> to vector<1x16xf32>
        tpu.vector_store %arg11[%swap3A_360, %swap3A_361], %swap3A_364 {add = true, strides = array<i32>} : memref<80x128xf32, #tpu.memory_space<vmem>>, vector<1x16xf32>,
        %add3A_365 = arith.constant 1 : i32
        %add3A_366 = arith.addi %mul3A_216, %add3A_365 : i32
        %add3A_367 = arith.constant 40 : i32
        %add3A_368 = arith.addi %add3A_367, %mul3A_216 : i32
        %add3A_369 = arith.constant 1 : i32
        %add3A_370 = arith.addi %add3A_368, %add3A_369 : i32
        %get3A_371 = arith.index_cast %add3A_370 : i32 to index
        %get3A_372 = arith.constant 32 : index
        %get3A_373 = tpu.vector_load %arg7[%get3A_371, %get3A_372] {strides = array<i32>} : memref<240x128xf32, #tpu.memory_space<vmem>>, vector<1x16xf32>,
        %get3A_374 = vector.shape_cast %get3A_373 : vector<1x16xf32> to vector<16xf32>
        %swap3A_375 = arith.index_cast %add3A_366 : i32 to index
        %swap3A_376 = arith.constant 32 : index
        %swap3A_377 = tpu.vector_load %arg11[%swap3A_375, %swap3A_376] {strides = array<i32>} : memref<80x128xf32, #tpu.memory_space<vmem>>, vector<1x16xf32>,
        %swap3A_378 = vector.shape_cast %swap3A_377 : vector<1x16xf32> to vector<16xf32>
        %swap3A_379 = vector.shape_cast %get3A_374 : vector<16xf32> to vector<1x16xf32>
        tpu.vector_store %arg11[%swap3A_375, %swap3A_376], %swap3A_379 {add = true, strides = array<i32>} : memref<80x128xf32, #tpu.memory_space<vmem>>, vector<1x16xf32>,
        %add3A_380 = arith.constant 1 : i32
        %add3A_381 = arith.addi %mul3A_216, %add3A_380 : i32
        %add3A_382 = arith.constant 40 : i32
        %add3A_383 = arith.addi %add3A_382, %mul3A_216 : i32
        %add3A_384 = arith.constant 1 : i32
        %add3A_385 = arith.addi %add3A_383, %add3A_384 : i32
        %get3A_386 = arith.index_cast %add3A_385 : i32 to index
        %get3A_387 = arith.constant 48 : index
        %get3A_388 = tpu.vector_load %arg7[%get3A_386, %get3A_387] {strides = array<i32>} : memref<240x128xf32, #tpu.memory_space<vmem>>, vector<1x16xf32>,
        %get3A_389 = vector.shape_cast %get3A_388 : vector<1x16xf32> to vector<16xf32>
        %swap3A_390 = arith.index_cast %add3A_381 : i32 to index
        %swap3A_391 = arith.constant 48 : index
        %swap3A_392 = tpu.vector_load %arg11[%swap3A_390, %swap3A_391] {strides = array<i32>} : memref<80x128xf32, #tpu.memory_space<vmem>>, vector<1x16xf32>,
        %swap3A_393 = vector.shape_cast %swap3A_392 : vector<1x16xf32> to vector<16xf32>
        %swap3A_394 = vector.shape_cast %get3A_389 : vector<16xf32> to vector<1x16xf32>
        tpu.vector_store %arg11[%swap3A_390, %swap3A_391], %swap3A_394 {add = true, strides = array<i32>} : memref<80x128xf32, #tpu.memory_space<vmem>>, vector<1x16xf32>,
        %add3A_395 = arith.constant 1 : i32
        %add3A_396 = arith.addi %mul3A_216, %add3A_395 : i32
        %add3A_397 = arith.constant 40 : i32
        %add3A_398 = arith.addi %add3A_397, %mul3A_216 : i32
        %add3A_399 = arith.constant 1 : i32
        %add3A_400 = arith.addi %add3A_398, %add3A_399 : i32
        %get3A_401 = arith.index_cast %add3A_400 : i32 to index
        %get3A_402 = arith.constant 64 : index
        %get3A_403 = tpu.vector_load %arg7[%get3A_401, %get3A_402] {strides = array<i32>} : memref<240x128xf32, #tpu.memory_space<vmem>>, vector<1x16xf32>,
        %get3A_404 = vector.shape_cast %get3A_403 : vector<1x16xf32> to vector<16xf32>
        %swap3A_405 = arith.index_cast %add3A_396 : i32 to index
        %swap3A_406 = arith.constant 64 : index
        %swap3A_407 = tpu.vector_load %arg11[%swap3A_405, %swap3A_406] {strides = array<i32>} : memref<80x128xf32, #tpu.memory_space<vmem>>, vector<1x16xf32>,
        %swap3A_408 = vector.shape_cast %swap3A_407 : vector<1x16xf32> to vector<16xf32>
        %swap3A_409 = vector.shape_cast %get3A_404 : vector<16xf32> to vector<1x16xf32>
        tpu.vector_store %arg11[%swap3A_405, %swap3A_406], %swap3A_409 {add = true, strides = array<i32>} : memref<80x128xf32, #tpu.memory_space<vmem>>, vector<1x16xf32>,
        %add3A_410 = arith.constant 1 : i32
        %add3A_411 = arith.addi %mul3A_216, %add3A_410 : i32
        %add3A_412 = arith.constant 40 : i32
        %add3A_413 = arith.addi %add3A_412, %mul3A_216 : i32
        %add3A_414 = arith.constant 1 : i32
        %add3A_415 = arith.addi %add3A_413, %add3A_414 : i32
        %get3A_416 = arith.index_cast %add3A_415 : i32 to index
        %get3A_417 = arith.constant 80 : index
        %get3A_418 = tpu.vector_load %arg7[%get3A_416, %get3A_417] {strides = array<i32>} : memref<240x128xf32, #tpu.memory_space<vmem>>, vector<1x16xf32>,
        %get3A_419 = vector.shape_cast %get3A_418 : vector<1x16xf32> to vector<16xf32>
        %swap3A_420 = arith.index_cast %add3A_411 : i32 to index
        %swap3A_421 = arith.constant 80 : index
        %swap3A_422 = tpu.vector_load %arg11[%swap3A_420, %swap3A_421] {strides = array<i32>} : memref<80x128xf32, #tpu.memory_space<vmem>>, vector<1x16xf32>,
        %swap3A_423 = vector.shape_cast %swap3A_422 : vector<1x16xf32> to vector<16xf32>
        %swap3A_424 = vector.shape_cast %get3A_419 : vector<16xf32> to vector<1x16xf32>
        tpu.vector_store %arg11[%swap3A_420, %swap3A_421], %swap3A_424 {add = true, strides = array<i32>} : memref<80x128xf32, #tpu.memory_space<vmem>>, vector<1x16xf32>,
        %add3A_425 = arith.constant 1 : i32
        %add3A_426 = arith.addi %mul3A_216, %add3A_425 : i32
        %add3A_427 = arith.constant 40 : i32
        %add3A_428 = arith.addi %add3A_427, %mul3A_216 : i32
        %add3A_429 = arith.constant 1 : i32
        %add3A_430 = arith.addi %add3A_428, %add3A_429 : i32
        %get3A_431 = arith.index_cast %add3A_430 : i32 to index
        %get3A_432 = arith.constant 96 : index
        %get3A_433 = tpu.vector_load %arg7[%get3A_431, %get3A_432] {strides = array<i32>} : memref<240x128xf32, #tpu.memory_space<vmem>>, vector<1x16xf32>,
        %get3A_434 = vector.shape_cast %get3A_433 : vector<1x16xf32> to vector<16xf32>
        %swap3A_435 = arith.index_cast %add3A_426 : i32 to index
        %swap3A_436 = arith.constant 96 : index
        %swap3A_437 = tpu.vector_load %arg11[%swap3A_435, %swap3A_436] {strides = array<i32>} : memref<80x128xf32, #tpu.memory_space<vmem>>, vector<1x16xf32>,
        %swap3A_438 = vector.shape_cast %swap3A_437 : vector<1x16xf32> to vector<16xf32>
        %swap3A_439 = vector.shape_cast %get3A_434 : vector<16xf32> to vector<1x16xf32>
        tpu.vector_store %arg11[%swap3A_435, %swap3A_436], %swap3A_439 {add = true, strides = array<i32>} : memref<80x128xf32, #tpu.memory_space<vmem>>, vector<1x16xf32>,
        %add3A_440 = arith.constant 1 : i32
        %add3A_441 = arith.addi %mul3A_216, %add3A_440 : i32
        %add3A_442 = arith.constant 40 : i32
        %add3A_443 = arith.addi %add3A_442, %mul3A_216 : i32
        %add3A_444 = arith.constant 1 : i32
        %add3A_445 = arith.addi %add3A_443, %add3A_444 : i32
        %get3A_446 = arith.index_cast %add3A_445 : i32 to index
        %get3A_447 = arith.constant 112 : index
        %get3A_448 = tpu.vector_load %arg7[%get3A_446, %get3A_447] {strides = array<i32>} : memref<240x128xf32, #tpu.memory_space<vmem>>, vector<1x16xf32>,
        %get3A_449 = vector.shape_cast %get3A_448 : vector<1x16xf32> to vector<16xf32>
        %swap3A_450 = arith.index_cast %add3A_441 : i32 to index
        %swap3A_451 = arith.constant 112 : index
        %swap3A_452 = tpu.vector_load %arg11[%swap3A_450, %swap3A_451] {strides = array<i32>} : memref<80x128xf32, #tpu.memory_space<vmem>>, vector<1x16xf32>,
        %swap3A_453 = vector.shape_cast %swap3A_452 : vector<1x16xf32> to vector<16xf32>
        %swap3A_454 = vector.shape_cast %get3A_449 : vector<16xf32> to vector<1x16xf32>
        tpu.vector_store %arg11[%swap3A_450, %swap3A_451], %swap3A_454 {add = true, strides = array<i32>} : memref<80x128xf32, #tpu.memory_space<vmem>>, vector<1x16xf32>,
      }
      %scan3A_158 = arith.constant 40 : i32
      %mul3A_159 = arith.constant 80 : i32
      %mul3A_160 = arith.muli %add3A_145, %mul3A_159 : i32
      %add3A_161 = arith.addi %mul3A_2, %mul3A_160 : i32
      %dma_start3A_162 = arith.constant 0 : i32
      %dma_start3A_163 = tpu.memref_slice %arg5[%add3A_161, %dma_start3A_162] : memref<819200x128xf32, #tpu.memory_space<hbm>> -> memref<80x128xf32, #tpu.memory_space<hbm>>
      %dma_start3A_164 = arith.constant 0 : i32
      %dma_start3A_165 = tpu.memref_slice %arg5[%add3A_161, %dma_start3A_164] : memref<819200x128xf32, #tpu.memory_space<hbm>> -> memref<80x128xf32, #tpu.memory_space<hbm>>
      tpu.enqueue_dma source(%arg11 : memref<80x128xf32, #tpu.memory_space<vmem>>) target(%dma_start3A_165 : memref<80x128xf32, #tpu.memory_space<hbm>>) target_semaphore(%arg21 : memref<!tpu.dma_semaphore, #tpu.memory_space<semaphore_mem>>)
      %ge3A_166 = arith.constant 2 : i32
      %ge3A_167 = arith.cmpi sge, %add3A_145, %ge3A_166 : i32
      %convert_element_type3A_168 = arith.extui %ge3A_167 : i1 to i32
      %cond3A_169 = arith.constant 0 : i32
      %cond3A_170 = arith.cmpi ne, %convert_element_type3A_168, %cond3A_169 : i32
      scf.if %cond3A_170 {
        %dma_wait3A_214 = arith.constant 0 : i32
        %dma_wait3A_215 = tpu.memref_slice %arg5[%mul3A_2, %dma_wait3A_214] : memref<819200x128xf32, #tpu.memory_space<hbm>> -> memref<80x128xf32, #tpu.memory_space<hbm>>
        %dma_wait3A_216 = arith.constant 0 : i32
        %dma_wait3A_217 = tpu.memref_slice %arg5[%mul3A_2, %dma_wait3A_216] : memref<819200x128xf32, #tpu.memory_space<hbm>> -> memref<80x128xf32, #tpu.memory_space<hbm>>
        tpu.wait_dma2 semaphore(%arg19 : memref<!tpu.dma_semaphore, #tpu.memory_space<semaphore_mem>>) src(%arg9 : memref<80x128xf32, #tpu.memory_space<vmem>>) dst(%dma_wait3A_217 : memref<80x128xf32, #tpu.memory_space<hbm>>)
      } else {
      }
      %add3A_171 = arith.constant 3 : i32
      %add3A_172 = arith.addi %add3A_145, %add3A_171 : i32
      %lt3A_173 = arith.constant 320 : i32
      %lt3A_174 = arith.cmpi slt, %add3A_172, %lt3A_173 : i32
      %convert_element_type3A_175 = arith.extui %lt3A_174 : i1 to i32
      %cond3A_176 = arith.constant 0 : i32
      %cond3A_177 = arith.cmpi ne, %convert_element_type3A_175, %cond3A_176 : i32
      scf.if %cond3A_177 {
        %add3A_214 = arith.constant 3 : i32
        %add3A_215 = arith.addi %add3A_145, %add3A_214 : i32
        %dma_start3A_216 = arith.constant 0 : i32
        %dma_start3A_217 = tpu.memref_slice %arg6[%add3A_215, %dma_start3A_216] : memref<320x80xi32, #tpu.memory_space<vmem>> -> memref<1x80xi32, #tpu.memory_space<vmem>>
        %dma_start3A_218 = tpu.memref_squeeze %dma_start3A_217 : memref<1x80xi32, #tpu.memory_space<vmem>> -> memref<80xi32, #tpu.memory_space<vmem>>
        %dma_start3A_219 = arith.constant 0 : i32
        %dma_start3A_220 = arith.constant 0 : i32
        %dma_start3A_221 = tpu.memref_slice %arg3[%dma_start3A_219, %dma_start3A_220] : memref<1000000x128xf32, #tpu.memory_space<hbm>> -> memref<1000000x128xf32, #tpu.memory_space<hbm>>
        tpu.enqueue_indirect_dma source(%dma_start3A_221 : memref<1000000x128xf32, #tpu.memory_space<hbm>>) target(%arg9 : memref<80x128xf32, #tpu.memory_space<vmem>>) offsets(%dma_start3A_218 : memref<80xi32, #tpu.memory_space<vmem>>) semaphore(%arg14 : memref<!tpu.dma_semaphore, #tpu.memory_space<semaphore_mem>>)
      } else {
      }
      %mul3A_178 = arith.constant 5 : i32
      %mul3A_179 = arith.muli %scan3A_37, %mul3A_178 : i32
      %add3A_180 = arith.constant 4 : i32
      %add3A_181 = arith.addi %mul3A_179, %add3A_180 : i32
      %dma_wait3A_182 = arith.constant 0 : i32
      %dma_wait3A_183 = arith.constant 0 : i32
      %dma_wait3A_184 = tpu.memref_slice %arg6[%dma_wait3A_182, %dma_wait3A_183] : memref<320x80xi32, #tpu.memory_space<vmem>> -> memref<1x80xi32, #tpu.memory_space<vmem>>
      %dma_wait3A_185 = tpu.memref_squeeze %dma_wait3A_184 : memref<1x80xi32, #tpu.memory_space<vmem>> -> memref<80xi32, #tpu.memory_space<vmem>>
      %dma_wait3A_186 = arith.constant 0 : i32
      %dma_wait3A_187 = arith.constant 0 : i32
      %dma_wait3A_188 = tpu.memref_slice %arg3[%dma_wait3A_186, %dma_wait3A_187] : memref<1000000x128xf32, #tpu.memory_space<hbm>> -> memref<1000000x128xf32, #tpu.memory_space<hbm>>
      tpu.wait_indirect_dma semaphore(%arg17 : memref<!tpu.dma_semaphore, #tpu.memory_space<semaphore_mem>>) src(%dma_wait3A_188 : memref<1000000x128xf32, #tpu.memory_space<hbm>>) dst(%arg12 : memref<80x128xf32, #tpu.memory_space<vmem>>)
      %scan3A_189 = arith.constant 0 : i32
      %scan3A_190 = arith.constant 0 : i32
      %scan3A_191 = arith.constant 40 : i32
      %scan3A_192 = arith.addi %scan3A_190, %scan3A_191 : i32
      %scan3A_193 = arith.constant 1 : i32
      scf.for %scan3A_214 = %scan3A_190 to %scan3A_192 step %scan3A_193  : i32 {
        %mul3A_215 = arith.constant 2 : i32
        %mul3A_216 = arith.muli %scan3A_214, %mul3A_215 : i32
        %add3A_217 = arith.constant 0 : i32
        %add3A_218 = arith.addi %mul3A_216, %add3A_217 : i32
        %add3A_219 = arith.constant 120 : i32
        %add3A_220 = arith.addi %add3A_219, %mul3A_216 : i32
        %add3A_221 = arith.constant 0 : i32
        %add3A_222 = arith.addi %add3A_220, %add3A_221 : i32
        %get3A = arith.index_cast %add3A_222 : i32 to index
        %get3A_223 = arith.constant 0 : index
        %get3A_224 = tpu.vector_load %arg7[%get3A, %get3A_223] {strides = array<i32>} : memref<240x128xf32, #tpu.memory_space<vmem>>, vector<1x16xf32>,
        %get3A_225 = vector.shape_cast %get3A_224 : vector<1x16xf32> to vector<16xf32>
        %swap3A = arith.index_cast %add3A_218 : i32 to index
        %swap3A_226 = arith.constant 0 : index
        %swap3A_227 = tpu.vector_load %arg12[%swap3A, %swap3A_226] {strides = array<i32>} : memref<80x128xf32, #tpu.memory_space<vmem>>, vector<1x16xf32>,
        %swap3A_228 = vector.shape_cast %swap3A_227 : vector<1x16xf32> to vector<16xf32>
        %swap3A_229 = vector.shape_cast %get3A_225 : vector<16xf32> to vector<1x16xf32>
        tpu.vector_store %arg12[%swap3A, %swap3A_226], %swap3A_229 {add = true, strides = array<i32>} : memref<80x128xf32, #tpu.memory_space<vmem>>, vector<1x16xf32>,
        %add3A_230 = arith.constant 0 : i32
        %add3A_231 = arith.addi %mul3A_216, %add3A_230 : i32
        %add3A_232 = arith.constant 120 : i32
        %add3A_233 = arith.addi %add3A_232, %mul3A_216 : i32
        %add3A_234 = arith.constant 0 : i32
        %add3A_235 = arith.addi %add3A_233, %add3A_234 : i32
        %get3A_236 = arith.index_cast %add3A_235 : i32 to index
        %get3A_237 = arith.constant 16 : index
        %get3A_238 = tpu.vector_load %arg7[%get3A_236, %get3A_237] {strides = array<i32>} : memref<240x128xf32, #tpu.memory_space<vmem>>, vector<1x16xf32>,
        %get3A_239 = vector.shape_cast %get3A_238 : vector<1x16xf32> to vector<16xf32>
        %swap3A_240 = arith.index_cast %add3A_231 : i32 to index
        %swap3A_241 = arith.constant 16 : index
        %swap3A_242 = tpu.vector_load %arg12[%swap3A_240, %swap3A_241] {strides = array<i32>} : memref<80x128xf32, #tpu.memory_space<vmem>>, vector<1x16xf32>,
        %swap3A_243 = vector.shape_cast %swap3A_242 : vector<1x16xf32> to vector<16xf32>
        %swap3A_244 = vector.shape_cast %get3A_239 : vector<16xf32> to vector<1x16xf32>
        tpu.vector_store %arg12[%swap3A_240, %swap3A_241], %swap3A_244 {add = true, strides = array<i32>} : memref<80x128xf32, #tpu.memory_space<vmem>>, vector<1x16xf32>,
        %add3A_245 = arith.constant 0 : i32
        %add3A_246 = arith.addi %mul3A_216, %add3A_245 : i32
        %add3A_247 = arith.constant 120 : i32
        %add3A_248 = arith.addi %add3A_247, %mul3A_216 : i32
        %add3A_249 = arith.constant 0 : i32
        %add3A_250 = arith.addi %add3A_248, %add3A_249 : i32
        %get3A_251 = arith.index_cast %add3A_250 : i32 to index
        %get3A_252 = arith.constant 32 : index
        %get3A_253 = tpu.vector_load %arg7[%get3A_251, %get3A_252] {strides = array<i32>} : memref<240x128xf32, #tpu.memory_space<vmem>>, vector<1x16xf32>,
        %get3A_254 = vector.shape_cast %get3A_253 : vector<1x16xf32> to vector<16xf32>
        %swap3A_255 = arith.index_cast %add3A_246 : i32 to index
        %swap3A_256 = arith.constant 32 : index
        %swap3A_257 = tpu.vector_load %arg12[%swap3A_255, %swap3A_256] {strides = array<i32>} : memref<80x128xf32, #tpu.memory_space<vmem>>, vector<1x16xf32>,
        %swap3A_258 = vector.shape_cast %swap3A_257 : vector<1x16xf32> to vector<16xf32>
        %swap3A_259 = vector.shape_cast %get3A_254 : vector<16xf32> to vector<1x16xf32>
        tpu.vector_store %arg12[%swap3A_255, %swap3A_256], %swap3A_259 {add = true, strides = array<i32>} : memref<80x128xf32, #tpu.memory_space<vmem>>, vector<1x16xf32>,
        %add3A_260 = arith.constant 0 : i32
        %add3A_261 = arith.addi %mul3A_216, %add3A_260 : i32
        %add3A_262 = arith.constant 120 : i32
        %add3A_263 = arith.addi %add3A_262, %mul3A_216 : i32
        %add3A_264 = arith.constant 0 : i32
        %add3A_265 = arith.addi %add3A_263, %add3A_264 : i32
        %get3A_266 = arith.index_cast %add3A_265 : i32 to index
        %get3A_267 = arith.constant 48 : index
        %get3A_268 = tpu.vector_load %arg7[%get3A_266, %get3A_267] {strides = array<i32>} : memref<240x128xf32, #tpu.memory_space<vmem>>, vector<1x16xf32>,
        %get3A_269 = vector.shape_cast %get3A_268 : vector<1x16xf32> to vector<16xf32>
        %swap3A_270 = arith.index_cast %add3A_261 : i32 to index
        %swap3A_271 = arith.constant 48 : index
        %swap3A_272 = tpu.vector_load %arg12[%swap3A_270, %swap3A_271] {strides = array<i32>} : memref<80x128xf32, #tpu.memory_space<vmem>>, vector<1x16xf32>,
        %swap3A_273 = vector.shape_cast %swap3A_272 : vector<1x16xf32> to vector<16xf32>
        %swap3A_274 = vector.shape_cast %get3A_269 : vector<16xf32> to vector<1x16xf32>
        tpu.vector_store %arg12[%swap3A_270, %swap3A_271], %swap3A_274 {add = true, strides = array<i32>} : memref<80x128xf32, #tpu.memory_space<vmem>>, vector<1x16xf32>,
        %add3A_275 = arith.constant 0 : i32
        %add3A_276 = arith.addi %mul3A_216, %add3A_275 : i32
        %add3A_277 = arith.constant 120 : i32
        %add3A_278 = arith.addi %add3A_277, %mul3A_216 : i32
        %add3A_279 = arith.constant 0 : i32
        %add3A_280 = arith.addi %add3A_278, %add3A_279 : i32
        %get3A_281 = arith.index_cast %add3A_280 : i32 to index
        %get3A_282 = arith.constant 64 : index
        %get3A_283 = tpu.vector_load %arg7[%get3A_281, %get3A_282] {strides = array<i32>} : memref<240x128xf32, #tpu.memory_space<vmem>>, vector<1x16xf32>,
        %get3A_284 = vector.shape_cast %get3A_283 : vector<1x16xf32> to vector<16xf32>
        %swap3A_285 = arith.index_cast %add3A_276 : i32 to index
        %swap3A_286 = arith.constant 64 : index
        %swap3A_287 = tpu.vector_load %arg12[%swap3A_285, %swap3A_286] {strides = array<i32>} : memref<80x128xf32, #tpu.memory_space<vmem>>, vector<1x16xf32>,
        %swap3A_288 = vector.shape_cast %swap3A_287 : vector<1x16xf32> to vector<16xf32>
        %swap3A_289 = vector.shape_cast %get3A_284 : vector<16xf32> to vector<1x16xf32>
        tpu.vector_store %arg12[%swap3A_285, %swap3A_286], %swap3A_289 {add = true, strides = array<i32>} : memref<80x128xf32, #tpu.memory_space<vmem>>, vector<1x16xf32>,
        %add3A_290 = arith.constant 0 : i32
        %add3A_291 = arith.addi %mul3A_216, %add3A_290 : i32
        %add3A_292 = arith.constant 120 : i32
        %add3A_293 = arith.addi %add3A_292, %mul3A_216 : i32
        %add3A_294 = arith.constant 0 : i32
        %add3A_295 = arith.addi %add3A_293, %add3A_294 : i32
        %get3A_296 = arith.index_cast %add3A_295 : i32 to index
        %get3A_297 = arith.constant 80 : index
        %get3A_298 = tpu.vector_load %arg7[%get3A_296, %get3A_297] {strides = array<i32>} : memref<240x128xf32, #tpu.memory_space<vmem>>, vector<1x16xf32>,
        %get3A_299 = vector.shape_cast %get3A_298 : vector<1x16xf32> to vector<16xf32>
        %swap3A_300 = arith.index_cast %add3A_291 : i32 to index
        %swap3A_301 = arith.constant 80 : index
        %swap3A_302 = tpu.vector_load %arg12[%swap3A_300, %swap3A_301] {strides = array<i32>} : memref<80x128xf32, #tpu.memory_space<vmem>>, vector<1x16xf32>,
        %swap3A_303 = vector.shape_cast %swap3A_302 : vector<1x16xf32> to vector<16xf32>
        %swap3A_304 = vector.shape_cast %get3A_299 : vector<16xf32> to vector<1x16xf32>
        tpu.vector_store %arg12[%swap3A_300, %swap3A_301], %swap3A_304 {add = true, strides = array<i32>} : memref<80x128xf32, #tpu.memory_space<vmem>>, vector<1x16xf32>,
        %add3A_305 = arith.constant 0 : i32
        %add3A_306 = arith.addi %mul3A_216, %add3A_305 : i32
        %add3A_307 = arith.constant 120 : i32
        %add3A_308 = arith.addi %add3A_307, %mul3A_216 : i32
        %add3A_309 = arith.constant 0 : i32
        %add3A_310 = arith.addi %add3A_308, %add3A_309 : i32
        %get3A_311 = arith.index_cast %add3A_310 : i32 to index
        %get3A_312 = arith.constant 96 : index
        %get3A_313 = tpu.vector_load %arg7[%get3A_311, %get3A_312] {strides = array<i32>} : memref<240x128xf32, #tpu.memory_space<vmem>>, vector<1x16xf32>,
        %get3A_314 = vector.shape_cast %get3A_313 : vector<1x16xf32> to vector<16xf32>
        %swap3A_315 = arith.index_cast %add3A_306 : i32 to index
        %swap3A_316 = arith.constant 96 : index
        %swap3A_317 = tpu.vector_load %arg12[%swap3A_315, %swap3A_316] {strides = array<i32>} : memref<80x128xf32, #tpu.memory_space<vmem>>, vector<1x16xf32>,
        %swap3A_318 = vector.shape_cast %swap3A_317 : vector<1x16xf32> to vector<16xf32>
        %swap3A_319 = vector.shape_cast %get3A_314 : vector<16xf32> to vector<1x16xf32>
        tpu.vector_store %arg12[%swap3A_315, %swap3A_316], %swap3A_319 {add = true, strides = array<i32>} : memref<80x128xf32, #tpu.memory_space<vmem>>, vector<1x16xf32>,
        %add3A_320 = arith.constant 0 : i32
        %add3A_321 = arith.addi %mul3A_216, %add3A_320 : i32
        %add3A_322 = arith.constant 120 : i32
        %add3A_323 = arith.addi %add3A_322, %mul3A_216 : i32
        %add3A_324 = arith.constant 0 : i32
        %add3A_325 = arith.addi %add3A_323, %add3A_324 : i32
        %get3A_326 = arith.index_cast %add3A_325 : i32 to index
        %get3A_327 = arith.constant 112 : index
        %get3A_328 = tpu.vector_load %arg7[%get3A_326, %get3A_327] {strides = array<i32>} : memref<240x128xf32, #tpu.memory_space<vmem>>, vector<1x16xf32>,
        %get3A_329 = vector.shape_cast %get3A_328 : vector<1x16xf32> to vector<16xf32>
        %swap3A_330 = arith.index_cast %add3A_321 : i32 to index
        %swap3A_331 = arith.constant 112 : index
        %swap3A_332 = tpu.vector_load %arg12[%swap3A_330, %swap3A_331] {strides = array<i32>} : memref<80x128xf32, #tpu.memory_space<vmem>>, vector<1x16xf32>,
        %swap3A_333 = vector.shape_cast %swap3A_332 : vector<1x16xf32> to vector<16xf32>
        %swap3A_334 = vector.shape_cast %get3A_329 : vector<16xf32> to vector<1x16xf32>
        tpu.vector_store %arg12[%swap3A_330, %swap3A_331], %swap3A_334 {add = true, strides = array<i32>} : memref<80x128xf32, #tpu.memory_space<vmem>>, vector<1x16xf32>,
        %add3A_335 = arith.constant 1 : i32
        %add3A_336 = arith.addi %mul3A_216, %add3A_335 : i32
        %add3A_337 = arith.constant 120 : i32
        %add3A_338 = arith.addi %add3A_337, %mul3A_216 : i32
        %add3A_339 = arith.constant 1 : i32
        %add3A_340 = arith.addi %add3A_338, %add3A_339 : i32
        %get3A_341 = arith.index_cast %add3A_340 : i32 to index
        %get3A_342 = arith.constant 0 : index
        %get3A_343 = tpu.vector_load %arg7[%get3A_341, %get3A_342] {strides = array<i32>} : memref<240x128xf32, #tpu.memory_space<vmem>>, vector<1x16xf32>,
        %get3A_344 = vector.shape_cast %get3A_343 : vector<1x16xf32> to vector<16xf32>
        %swap3A_345 = arith.index_cast %add3A_336 : i32 to index
        %swap3A_346 = arith.constant 0 : index
        %swap3A_347 = tpu.vector_load %arg12[%swap3A_345, %swap3A_346] {strides = array<i32>} : memref<80x128xf32, #tpu.memory_space<vmem>>, vector<1x16xf32>,
        %swap3A_348 = vector.shape_cast %swap3A_347 : vector<1x16xf32> to vector<16xf32>
        %swap3A_349 = vector.shape_cast %get3A_344 : vector<16xf32> to vector<1x16xf32>
        tpu.vector_store %arg12[%swap3A_345, %swap3A_346], %swap3A_349 {add = true, strides = array<i32>} : memref<80x128xf32, #tpu.memory_space<vmem>>, vector<1x16xf32>,
        %add3A_350 = arith.constant 1 : i32
        %add3A_351 = arith.addi %mul3A_216, %add3A_350 : i32
        %add3A_352 = arith.constant 120 : i32
        %add3A_353 = arith.addi %add3A_352, %mul3A_216 : i32
        %add3A_354 = arith.constant 1 : i32
        %add3A_355 = arith.addi %add3A_353, %add3A_354 : i32
        %get3A_356 = arith.index_cast %add3A_355 : i32 to index
        %get3A_357 = arith.constant 16 : index
        %get3A_358 = tpu.vector_load %arg7[%get3A_356, %get3A_357] {strides = array<i32>} : memref<240x128xf32, #tpu.memory_space<vmem>>, vector<1x16xf32>,
        %get3A_359 = vector.shape_cast %get3A_358 : vector<1x16xf32> to vector<16xf32>
        %swap3A_360 = arith.index_cast %add3A_351 : i32 to index
        %swap3A_361 = arith.constant 16 : index
        %swap3A_362 = tpu.vector_load %arg12[%swap3A_360, %swap3A_361] {strides = array<i32>} : memref<80x128xf32, #tpu.memory_space<vmem>>, vector<1x16xf32>,
        %swap3A_363 = vector.shape_cast %swap3A_362 : vector<1x16xf32> to vector<16xf32>
        %swap3A_364 = vector.shape_cast %get3A_359 : vector<16xf32> to vector<1x16xf32>
        tpu.vector_store %arg12[%swap3A_360, %swap3A_361], %swap3A_364 {add = true, strides = array<i32>} : memref<80x128xf32, #tpu.memory_space<vmem>>, vector<1x16xf32>,
        %add3A_365 = arith.constant 1 : i32
        %add3A_366 = arith.addi %mul3A_216, %add3A_365 : i32
        %add3A_367 = arith.constant 120 : i32
        %add3A_368 = arith.addi %add3A_367, %mul3A_216 : i32
        %add3A_369 = arith.constant 1 : i32
        %add3A_370 = arith.addi %add3A_368, %add3A_369 : i32
        %get3A_371 = arith.index_cast %add3A_370 : i32 to index
        %get3A_372 = arith.constant 32 : index
        %get3A_373 = tpu.vector_load %arg7[%get3A_371, %get3A_372] {strides = array<i32>} : memref<240x128xf32, #tpu.memory_space<vmem>>, vector<1x16xf32>,
        %get3A_374 = vector.shape_cast %get3A_373 : vector<1x16xf32> to vector<16xf32>
        %swap3A_375 = arith.index_cast %add3A_366 : i32 to index
        %swap3A_376 = arith.constant 32 : index
        %swap3A_377 = tpu.vector_load %arg12[%swap3A_375, %swap3A_376] {strides = array<i32>} : memref<80x128xf32, #tpu.memory_space<vmem>>, vector<1x16xf32>,
        %swap3A_378 = vector.shape_cast %swap3A_377 : vector<1x16xf32> to vector<16xf32>
        %swap3A_379 = vector.shape_cast %get3A_374 : vector<16xf32> to vector<1x16xf32>
        tpu.vector_store %arg12[%swap3A_375, %swap3A_376], %swap3A_379 {add = true, strides = array<i32>} : memref<80x128xf32, #tpu.memory_space<vmem>>, vector<1x16xf32>,
        %add3A_380 = arith.constant 1 : i32
        %add3A_381 = arith.addi %mul3A_216, %add3A_380 : i32
        %add3A_382 = arith.constant 120 : i32
        %add3A_383 = arith.addi %add3A_382, %mul3A_216 : i32
        %add3A_384 = arith.constant 1 : i32
        %add3A_385 = arith.addi %add3A_383, %add3A_384 : i32
        %get3A_386 = arith.index_cast %add3A_385 : i32 to index
        %get3A_387 = arith.constant 48 : index
        %get3A_388 = tpu.vector_load %arg7[%get3A_386, %get3A_387] {strides = array<i32>} : memref<240x128xf32, #tpu.memory_space<vmem>>, vector<1x16xf32>,
        %get3A_389 = vector.shape_cast %get3A_388 : vector<1x16xf32> to vector<16xf32>
        %swap3A_390 = arith.index_cast %add3A_381 : i32 to index
        %swap3A_391 = arith.constant 48 : index
        %swap3A_392 = tpu.vector_load %arg12[%swap3A_390, %swap3A_391] {strides = array<i32>} : memref<80x128xf32, #tpu.memory_space<vmem>>, vector<1x16xf32>,
        %swap3A_393 = vector.shape_cast %swap3A_392 : vector<1x16xf32> to vector<16xf32>
        %swap3A_394 = vector.shape_cast %get3A_389 : vector<16xf32> to vector<1x16xf32>
        tpu.vector_store %arg12[%swap3A_390, %swap3A_391], %swap3A_394 {add = true, strides = array<i32>} : memref<80x128xf32, #tpu.memory_space<vmem>>, vector<1x16xf32>,
        %add3A_395 = arith.constant 1 : i32
        %add3A_396 = arith.addi %mul3A_216, %add3A_395 : i32
        %add3A_397 = arith.constant 120 : i32
        %add3A_398 = arith.addi %add3A_397, %mul3A_216 : i32
        %add3A_399 = arith.constant 1 : i32
        %add3A_400 = arith.addi %add3A_398, %add3A_399 : i32
        %get3A_401 = arith.index_cast %add3A_400 : i32 to index
        %get3A_402 = arith.constant 64 : index
        %get3A_403 = tpu.vector_load %arg7[%get3A_401, %get3A_402] {strides = array<i32>} : memref<240x128xf32, #tpu.memory_space<vmem>>, vector<1x16xf32>,
        %get3A_404 = vector.shape_cast %get3A_403 : vector<1x16xf32> to vector<16xf32>
        %swap3A_405 = arith.index_cast %add3A_396 : i32 to index
        %swap3A_406 = arith.constant 64 : index
        %swap3A_407 = tpu.vector_load %arg12[%swap3A_405, %swap3A_406] {strides = array<i32>} : memref<80x128xf32, #tpu.memory_space<vmem>>, vector<1x16xf32>,
        %swap3A_408 = vector.shape_cast %swap3A_407 : vector<1x16xf32> to vector<16xf32>
        %swap3A_409 = vector.shape_cast %get3A_404 : vector<16xf32> to vector<1x16xf32>
        tpu.vector_store %arg12[%swap3A_405, %swap3A_406], %swap3A_409 {add = true, strides = array<i32>} : memref<80x128xf32, #tpu.memory_space<vmem>>, vector<1x16xf32>,
        %add3A_410 = arith.constant 1 : i32
        %add3A_411 = arith.addi %mul3A_216, %add3A_410 : i32
        %add3A_412 = arith.constant 120 : i32
        %add3A_413 = arith.addi %add3A_412, %mul3A_216 : i32
        %add3A_414 = arith.constant 1 : i32
        %add3A_415 = arith.addi %add3A_413, %add3A_414 : i32
        %get3A_416 = arith.index_cast %add3A_415 : i32 to index
        %get3A_417 = arith.constant 80 : index
        %get3A_418 = tpu.vector_load %arg7[%get3A_416, %get3A_417] {strides = array<i32>} : memref<240x128xf32, #tpu.memory_space<vmem>>, vector<1x16xf32>,
        %get3A_419 = vector.shape_cast %get3A_418 : vector<1x16xf32> to vector<16xf32>
        %swap3A_420 = arith.index_cast %add3A_411 : i32 to index
        %swap3A_421 = arith.constant 80 : index
        %swap3A_422 = tpu.vector_load %arg12[%swap3A_420, %swap3A_421] {strides = array<i32>} : memref<80x128xf32, #tpu.memory_space<vmem>>, vector<1x16xf32>,
        %swap3A_423 = vector.shape_cast %swap3A_422 : vector<1x16xf32> to vector<16xf32>
        %swap3A_424 = vector.shape_cast %get3A_419 : vector<16xf32> to vector<1x16xf32>
        tpu.vector_store %arg12[%swap3A_420, %swap3A_421], %swap3A_424 {add = true, strides = array<i32>} : memref<80x128xf32, #tpu.memory_space<vmem>>, vector<1x16xf32>,
        %add3A_425 = arith.constant 1 : i32
        %add3A_426 = arith.addi %mul3A_216, %add3A_425 : i32
        %add3A_427 = arith.constant 120 : i32
        %add3A_428 = arith.addi %add3A_427, %mul3A_216 : i32
        %add3A_429 = arith.constant 1 : i32
        %add3A_430 = arith.addi %add3A_428, %add3A_429 : i32
        %get3A_431 = arith.index_cast %add3A_430 : i32 to index
        %get3A_432 = arith.constant 96 : index
        %get3A_433 = tpu.vector_load %arg7[%get3A_431, %get3A_432] {strides = array<i32>} : memref<240x128xf32, #tpu.memory_space<vmem>>, vector<1x16xf32>,
        %get3A_434 = vector.shape_cast %get3A_433 : vector<1x16xf32> to vector<16xf32>
        %swap3A_435 = arith.index_cast %add3A_426 : i32 to index
        %swap3A_436 = arith.constant 96 : index
        %swap3A_437 = tpu.vector_load %arg12[%swap3A_435, %swap3A_436] {strides = array<i32>} : memref<80x128xf32, #tpu.memory_space<vmem>>, vector<1x16xf32>,
        %swap3A_438 = vector.shape_cast %swap3A_437 : vector<1x16xf32> to vector<16xf32>
        %swap3A_439 = vector.shape_cast %get3A_434 : vector<16xf32> to vector<1x16xf32>
        tpu.vector_store %arg12[%swap3A_435, %swap3A_436], %swap3A_439 {add = true, strides = array<i32>} : memref<80x128xf32, #tpu.memory_space<vmem>>, vector<1x16xf32>,
        %add3A_440 = arith.constant 1 : i32
        %add3A_441 = arith.addi %mul3A_216, %add3A_440 : i32
        %add3A_442 = arith.constant 120 : i32
        %add3A_443 = arith.addi %add3A_442, %mul3A_216 : i32
        %add3A_444 = arith.constant 1 : i32
        %add3A_445 = arith.addi %add3A_443, %add3A_444 : i32
        %get3A_446 = arith.index_cast %add3A_445 : i32 to index
        %get3A_447 = arith.constant 112 : index
        %get3A_448 = tpu.vector_load %arg7[%get3A_446, %get3A_447] {strides = array<i32>} : memref<240x128xf32, #tpu.memory_space<vmem>>, vector<1x16xf32>,
        %get3A_449 = vector.shape_cast %get3A_448 : vector<1x16xf32> to vector<16xf32>
        %swap3A_450 = arith.index_cast %add3A_441 : i32 to index
        %swap3A_451 = arith.constant 112 : index
        %swap3A_452 = tpu.vector_load %arg12[%swap3A_450, %swap3A_451] {strides = array<i32>} : memref<80x128xf32, #tpu.memory_space<vmem>>, vector<1x16xf32>,
        %swap3A_453 = vector.shape_cast %swap3A_452 : vector<1x16xf32> to vector<16xf32>
        %swap3A_454 = vector.shape_cast %get3A_449 : vector<16xf32> to vector<1x16xf32>
        tpu.vector_store %arg12[%swap3A_450, %swap3A_451], %swap3A_454 {add = true, strides = array<i32>} : memref<80x128xf32, #tpu.memory_space<vmem>>, vector<1x16xf32>,
      }
      %scan3A_194 = arith.constant 40 : i32
      %mul3A_195 = arith.constant 80 : i32
      %mul3A_196 = arith.muli %add3A_181, %mul3A_195 : i32
      %add3A_197 = arith.addi %mul3A_2, %mul3A_196 : i32
      %dma_start3A_198 = arith.constant 0 : i32
      %dma_start3A_199 = tpu.memref_slice %arg5[%add3A_197, %dma_start3A_198] : memref<819200x128xf32, #tpu.memory_space<hbm>> -> memref<80x128xf32, #tpu.memory_space<hbm>>
      %dma_start3A_200 = arith.constant 0 : i32
      %dma_start3A_201 = tpu.memref_slice %arg5[%add3A_197, %dma_start3A_200] : memref<819200x128xf32, #tpu.memory_space<hbm>> -> memref<80x128xf32, #tpu.memory_space<hbm>>
      tpu.enqueue_dma source(%arg12 : memref<80x128xf32, #tpu.memory_space<vmem>>) target(%dma_start3A_201 : memref<80x128xf32, #tpu.memory_space<hbm>>) target_semaphore(%arg22 : memref<!tpu.dma_semaphore, #tpu.memory_space<semaphore_mem>>)
      %ge3A_202 = arith.constant 2 : i32
      %ge3A_203 = arith.cmpi sge, %add3A_181, %ge3A_202 : i32
      %convert_element_type3A_204 = arith.extui %ge3A_203 : i1 to i32
      %cond3A_205 = arith.constant 0 : i32
      %cond3A_206 = arith.cmpi ne, %convert_element_type3A_204, %cond3A_205 : i32
      scf.if %cond3A_206 {
        %dma_wait3A_214 = arith.constant 0 : i32
        %dma_wait3A_215 = tpu.memref_slice %arg5[%mul3A_2, %dma_wait3A_214] : memref<819200x128xf32, #tpu.memory_space<hbm>> -> memref<80x128xf32, #tpu.memory_space<hbm>>
        %dma_wait3A_216 = arith.constant 0 : i32
        %dma_wait3A_217 = tpu.memref_slice %arg5[%mul3A_2, %dma_wait3A_216] : memref<819200x128xf32, #tpu.memory_space<hbm>> -> memref<80x128xf32, #tpu.memory_space<hbm>>
        tpu.wait_dma2 semaphore(%arg20 : memref<!tpu.dma_semaphore, #tpu.memory_space<semaphore_mem>>) src(%arg10 : memref<80x128xf32, #tpu.memory_space<vmem>>) dst(%dma_wait3A_217 : memref<80x128xf32, #tpu.memory_space<hbm>>)
      } else {
      }
      %add3A_207 = arith.constant 3 : i32
      %add3A_208 = arith.addi %add3A_181, %add3A_207 : i32
      %lt3A_209 = arith.constant 320 : i32
      %lt3A_210 = arith.cmpi slt, %add3A_208, %lt3A_209 : i32
      %convert_element_type3A_211 = arith.extui %lt3A_210 : i1 to i32
      %cond3A_212 = arith.constant 0 : i32
      %cond3A_213 = arith.cmpi ne, %convert_element_type3A_211, %cond3A_212 : i32
      scf.if %cond3A_213 {
        %add3A_214 = arith.constant 3 : i32
        %add3A_215 = arith.addi %add3A_181, %add3A_214 : i32
        %dma_start3A_216 = arith.constant 0 : i32
        %dma_start3A_217 = tpu.memref_slice %arg6[%add3A_215, %dma_start3A_216] : memref<320x80xi32, #tpu.memory_space<vmem>> -> memref<1x80xi32, #tpu.memory_space<vmem>>
        %dma_start3A_218 = tpu.memref_squeeze %dma_start3A_217 : memref<1x80xi32, #tpu.memory_space<vmem>> -> memref<80xi32, #tpu.memory_space<vmem>>
        %dma_start3A_219 = arith.constant 0 : i32
        %dma_start3A_220 = arith.constant 0 : i32
        %dma_start3A_221 = tpu.memref_slice %arg3[%dma_start3A_219, %dma_start3A_220] : memref<1000000x128xf32, #tpu.memory_space<hbm>> -> memref<1000000x128xf32, #tpu.memory_space<hbm>>
        tpu.enqueue_indirect_dma source(%dma_start3A_221 : memref<1000000x128xf32, #tpu.memory_space<hbm>>) target(%arg10 : memref<80x128xf32, #tpu.memory_space<vmem>>) offsets(%dma_start3A_218 : memref<80xi32, #tpu.memory_space<vmem>>) semaphore(%arg15 : memref<!tpu.dma_semaphore, #tpu.memory_space<semaphore_mem>>)
      } else {
      }
    }
    %scan3A_29 = arith.constant 64 : i32
    %dma_wait3A = arith.constant 0 : i32
    %dma_wait3A_30 = tpu.memref_slice %arg5[%mul3A_2, %dma_wait3A] : memref<819200x128xf32, #tpu.memory_space<hbm>> -> memref<80x128xf32, #tpu.memory_space<hbm>>
    %dma_wait3A_31 = arith.constant 0 : i32
    %dma_wait3A_32 = tpu.memref_slice %arg5[%mul3A_2, %dma_wait3A_31] : memref<819200x128xf32, #tpu.memory_space<hbm>> -> memref<80x128xf32, #tpu.memory_space<hbm>>
    tpu.wait_dma2 semaphore(%arg21 : memref<!tpu.dma_semaphore, #tpu.memory_space<semaphore_mem>>) src(%arg11 : memref<80x128xf32, #tpu.memory_space<vmem>>) dst(%dma_wait3A_32 : memref<80x128xf32, #tpu.memory_space<hbm>>)
    %dma_wait3A_33 = arith.constant 0 : i32
    %dma_wait3A_34 = tpu.memref_slice %arg5[%mul3A_2, %dma_wait3A_33] : memref<819200x128xf32, #tpu.memory_space<hbm>> -> memref<80x128xf32, #tpu.memory_space<hbm>>
    %dma_wait3A_35 = arith.constant 0 : i32
    %dma_wait3A_36 = tpu.memref_slice %arg5[%mul3A_2, %dma_wait3A_35] : memref<819200x128xf32, #tpu.memory_space<hbm>> -> memref<80x128xf32, #tpu.memory_space<hbm>>
    tpu.wait_dma2 semaphore(%arg22 : memref<!tpu.dma_semaphore, #tpu.memory_space<semaphore_mem>>) src(%arg12 : memref<80x128xf32, #tpu.memory_space<vmem>>) dst(%dma_wait3A_36 : memref<80x128xf32, #tpu.memory_space<hbm>>)
    return
  }
}

</mosaic_0001>

<sc_bundles>
// kernel: kernel.3.cloned.1.call-start
scs
__scs_entry_jumppad:
0x0: {  	(pc) =	sbr.rel $0x88, $3  }
0x1: {  	(tag) =	ssettag $0x0;
	lr =	simm.s32 $0x1  }
0x2: {  	[smem:$0x3F9E] =	sst lr;
	_ =	strace $0xD0000000  }
0x3: {  	_ = 	snop  }
0x4: {  	_ = 	snop  }
0x5: {  	_ = 	snop  }
0x6: {  	_ = 	snop  }
0x7: {  	_ = 	snop  }
__scs_overlays_trampoline_lowered:
0x8: {  	[smem:$0x3FAD] =	sst s0  }
0x9: {  	[smem:$0x3FAE] =	sst s1  }
0xa: {  	[smem:$0x3FAF] =	sst s2  }
0xb: {  	[smem:$0x3FB0] =	sst s3  }
0xc: {  	[smem:$0x3FB1] =	sst s4  }
0xd: {  	[smem:$0x3FB2] =	sst s5  }
0xe: {  	[smem:$0x3FB3] =	sst s6  }
0xf: {  	[smem:$0x3FB4] =	sst s7  }
0x10: {  	[smem:$0x3FB5] =	sst s8  }
0x11: {  	[smem:$0x3FB6] =	sst s9;
	s0 =	simm.s32 @!p0 $0x0  }
0x12: {  	s1 =	sld [smem:$0x3F9C];
	s0 =	simm.s32 @p0 $0x1  }
0x13: {  	[smem:$0x3FB7] =	sst s0;
	s0 =	simm.s32 @!p1 $0x0  }
0x14: {  	s2 =	sld [smem:$0x3F9B];
	s0 =	simm.s32 @p1 $0x1  }
0x15: {  	[smem:$0x3FB8] =	sst s0;
	s0 =	simm.s32 @!p2 $0x0  }
0x16: {  	s3 =	sld [smem:$0x3FDB];
	s0 =	simm.s32 @p2 $0x1  }
0x17: {  	s4 =	simm.s32 $0x1BF5;
	[smem:$0x3FBA] =	sst s0  }
0x18: {  	s0 =	sld [smem:$0x3F9D];
	_ =	swait.ge [sflag:s4], $0x0  }
0x19: {  	s7 =	sld [smem:$0x3F9E]  }
0x1a: {  	s8 =	sadd.s32 $0xFFFFE003, lr  }
0x1b: {  	s9 =	sadd.s32 $0xFFFFFEF7, lr;
	s5 =	simm.s32 $0xFFFFFFFF;
	p2 =	slt.u32 s8, $0xFFFFF086  }
0x1c: {  	p1 =	slt.u32 s9, $0xF7A;
	s5 =	simm.s32 @!p2 $0x0  }
0x1d: {  	s5 =	simm.s32 @p1 $0x1;
	p0 =	seq.s32 s7, s2  }
0x1e: {  	s7 =	smul.u32 @!p0 $0xF7A, s2;
	p2 =	seq.s32 @!p0 s5, $0x0  }
0x1f: {  	s9 =	smul.u32 $0xF7A, s1;
	s8 =	simm.s32 @!p0 $0x1BF5;
	p2 =	por !p2, p0  }
0x20: {  	[sflag:s8] =	ssyncset.s32 @!p0 $0xFFFFF086;
	s6 =	sadd.s32 @!p0 s3, s7;
	s7 =	simm.s32 @!p0 $0x108  }
0x21: {  	s3 =	sadd.s32 s3, s9;
	s6 =	sadd.s32 @!p0 $0x88, s6;
	s7 =	simm.s32 @p2 $0x1082  }
0x22: {  	[simem:s7], [sflag:s8] =	dma.local @!p0 [hbm:s6], $0xF7A  }
0x23: {  	s9 =	sor.u32 $0xD0000000, s2;
	s6 =	simm.s32 $0x108;
	_ =	swait.ge @!p0 [sflag:s8], $0x0  }
0x24: {  	s3 =	sadd.s32 $0x88, s3;
	s6 =	simm.s32 @!p1 $0x1082;
	[sflag:s4] =	ssyncset.s32 $0xFFFFF086  }
0x25: {  	[simem:s6], [sflag:s4] =	dma.local [hbm:s3], $0xF7A  }
0x26: {  	[smem:$0x3F9E] =	sst s1;
	(tag) =	ssettag s2;
	_ =	strace s9  }
0x27: {  	s1 =	sld [smem:$0x3FAE]  }
0x28: {  	s2 =	sld [smem:$0x3FAF]  }
0x29: {  	s4 =	sld [smem:$0x3FB1]  }
0x2a: {  	p0 =	seq.s32 s5, $0x0;
	s5 =	sld [smem:$0x3FB2]  }
0x2b: {  	s6 =	sld [smem:$0x3FB3]  }
0x2c: {  	s7 =	sld [smem:$0x3FB4]  }
0x2d: {  	s3 =	simm.s32 $0x108;
	s8 =	sld [smem:$0x3FB5]  }
0x2e: {  	s3 =	simm.s32 @!p0 $0x1082;
	s9 =	sld [smem:$0x3FB6]  }
0x2f: {  	lr =	sadd.s32 s0, s3;
	s0 =	sld [smem:$0x3FAD]  }
0x30: {  	s3 =	sld [smem:$0x3FB0]  }
0x31: {  	[smem:$0x3FB9] =	sst s10  }
0x32: {  	s10 =	sld [smem:$0x3FB7];
	_ =	sdelay $0x3  }
0x33: {  	p0 =	seq.s32 s10, $0x1;
	s10 =	sld [smem:$0x3FB9];
	_ =	sdelay $0x3  }
0x34: {  	[smem:$0x3FB9] =	sst s10  }
0x35: {  	s10 =	sld [smem:$0x3FB8];
	_ =	sdelay $0x3  }
0x36: {  	p1 =	seq.s32 s10, $0x1;
	s10 =	sld [smem:$0x3FB9];
	_ =	sdelay $0x3  }
0x37: {  	[smem:$0x3FB9] =	sst s10  }
0x38: {  	s10 =	sld [smem:$0x3FBA]  }
0x39: {  	_ = 	snop;
	(pc) =	sbr.ind lr, $3  }
0x3a: {  	_ = 	snop  }
0x3b: {  	_ = 	snop  }
0x3c: {  	p2 =	seq.s32 s10, $0x1;
	s10 =	sld [smem:$0x3FB9]  }
0x3d: {  	_ =	shalt  }
0x3e: {  	_ =	shalt  }
0x3f: {  	_ =	shalt  }
0x40: {  	_ =	shalt  }
0x41: {  	_ =	shalt  }
0x42: {  	_ =	shalt  }
0x43: {  	_ =	shalt  }
0x44: {  	_ =	shalt  }
0x45: {  	_ =	shalt  }
0x46: {  	_ =	shalt  }
0x47: {  	_ =	shalt  }
0x48: {  	_ =	shalt  }
0x49: {  	_ =	shalt  }
0x4a: {  	_ =	shalt  }
0x4b: {  	_ =	shalt  }
0x4c: {  	_ =	shalt  }
0x4d: {  	_ =	shalt  }
0x4e: {  	_ =	shalt  }
0x4f: {  	_ =	shalt  }
0x50: {  	_ =	shalt  }
0x51: {  	_ =	shalt  }
0x52: {  	_ =	shalt  }
0x53: {  	_ =	shalt  }
0x54: {  	_ =	shalt  }
0x55: {  	_ =	shalt  }
0x56: {  	_ =	shalt  }
0x57: {  	_ =	shalt  }
0x58: {  	_ =	shalt  }
0x59: {  	_ =	shalt  }
0x5a: {  	_ =	shalt  }
0x5b: {  	_ =	shalt  }
0x5c: {  	_ =	shalt  }
0x5d: {  	_ =	shalt  }
0x5e: {  	_ =	shalt  }
0x5f: {  	_ =	shalt  }
0x60: {  	_ =	shalt  }
0x61: {  	_ =	shalt  }
0x62: {  	_ =	shalt  }
0x63: {  	_ =	shalt  }
0x64: {  	_ =	shalt  }
0x65: {  	_ =	shalt  }
0x66: {  	_ =	shalt  }
0x67: {  	_ =	shalt  }
0x68: {  	_ =	shalt  }
0x69: {  	_ =	shalt  }
0x6a: {  	_ =	shalt  }
0x6b: {  	_ =	shalt  }
0x6c: {  	_ =	shalt  }
0x6d: {  	_ =	shalt  }
0x6e: {  	_ =	shalt  }
0x6f: {  	_ =	shalt  }
0x70: {  	_ =	shalt  }
0x71: {  	_ =	shalt  }
0x72: {  	_ =	shalt  }
0x73: {  	_ =	shalt  }
0x74: {  	_ =	shalt  }
0x75: {  	_ =	shalt  }
0x76: {  	_ =	shalt  }
0x77: {  	_ =	shalt  }
0x78: {  	_ =	shalt  }
0x79: {  	_ =	shalt  }
0x7a: {  	_ =	shalt  }
0x7b: {  	_ =	shalt  }
0x7c: {  	_ =	shalt  }
0x7d: {  	_ =	shalt  }
0x7e: {  	_ =	shalt  }
0x7f: {  	_ =	shalt  }
0x80: {  	_ =	shalt  }
0x81: {  	_ =	shalt  }
0x82: {  	_ =	shalt  }
0x83: {  	_ =	shalt  }
0x84: {  	_ =	shalt  }
0x85: {  	_ =	shalt  }
0x86: {  	_ =	shalt  }
0x87: {  	_ =	shalt  }
.Lfunc_end0:
.L_simem_size_0:
called_computation_lowered:
.L_overlay_start_0:
0x88: {  	s2 =	sld [smem:$0x3FD9]  }
0x89: {  	s3 =	sld [smem:$0x3FFE];
	_ =	sdelay $0x1  }
0x8a: {  	s1 =	srdreg.scid  }
0x8b: {  	s0 =	sand.u32 $0x1, s1  }
0x8c: {  	s17 =	sshll.u32 s0, $0xA;
	s2 =	sadd.s32 s3, s2  }
0x8d: {  	s2 =	sadd.s32 s2, s17  }
0x8e: {  	[smem:$0x3FC5] =	sst s2  }
0x8f: {  	_ = 	snop  }
0x90: {  	s2 =	sld [smem:$0x3FC8]  }
0x91: {  	s18 =	sld [smem:$0x3FD0];
	(tm) =	ssettm $0x1  }
0x92: {  	s4 =	sld [smem:$0x3FFB];
	_ =	sdelay $0x3  }
0x93: {  	_ =	strace s4  }
0x94: {  	s4 =	sld [smem:$0x3FFC];
	_ =	sdelay $0x3  }
0x95: {  	_ =	strace s4  }
0x96: {  	s4 =	sld [smem:$0x3FFD];
	_ =	sdelay $0x3  }
0x97: {  	_ =	strace s4  }
0x98: {  	_ =	strace $0x8FFFFFFF  }
0x99: {  	s19 =	sld [smem:$0x3FDB];
	_ =	sdelay $0x1  }
0x9a: {  	s5 =	simm.s32 $_scs_section_size  }
0x9b: {  	s6 =	simm.s32 $_size__tile_overlayer_lowered;
	s7 =	simm.s32 $_tile_overlayer_lowered  }
0x9c: {  	s22 =	simm.s32 $0x1BFF;
	s21 =	sshll.u32 s7, $0x1;
	s4 =	sadd.s32 s5, s19  }
0x9d: {  	s8 =	simm.s32 $0x0;
	s20 =	sshll.u32 s6, $0x1;
	s6 =	sadd.s32 s21, s4  }
0x9e: {  	[timem:s8], [sflag:s22] =	dma.local [hbm:s6], s20  }
0x9f: {  	_ =	swait.ge [sflag:s22], s20  }
0xa0: {  	s5 =	ssub.s32 $0x0, s20;
	[sflag:s22] =	ssyncset.done $0x0  }
0xa1: {  	[sflag:s22] =	ssyncadd.s32 s5;
	_ =	sdelay $0x1  }
0xa2: {  	s23 =	simm.s32 $0x1B8B  }
0xa3: {  	_ =	swait.ge [sflag:s23], $0x1  }
0xa4: {  	[sflag:s23] =	ssyncset.done $0x0  }
0xa5: {  	s25 =	simm.s32 $0x1B8E;
	s24 =	sld [smem:$0x3FFE];
	[sflag:s23] =	ssyncadd.s32 $0xFFFFFFFF  }
0xa6: {  	s26 =	simm.s32 $execute0_lowered;
	[smem:$0x3FD2] =	sst s25  }
0xa7: {  	s6 =	sshll.u32 s26, $0x1;
	_ =	strace $0x80000046;
	[dreg:$0x1] =	wrdreg $0xFFFFFFFF  }
0xa8: {  	s28 =	simm.s32 $_size_execute0_lowered;
	s4 =	sadd.s32 s4, s6;
	[dreg:$0x0] =	wrdreg $0x0  }
0xa9: {  	s6 =	sshll.u32 s28, $0x1;
	[dreg:$0x2] =	wrdreg s4  }
0xaa: {  	[dreg:$0x3] =	wrdreg s6  }
0xab: {  	[dreg:$0x4] =	wrdreg $0xC0  }
0xac: {  	_ =	task [dreg:s8], $0x5FFFF  }
0xad: {  	[dreg:$0x1] =	wrdreg $0xFFFFFFFF  }
0xae: {  	[dreg:$0x0] =	wrdreg $0x60  }
0xaf: {  	[dreg:$0x2] =	wrdreg s24  }
0xb0: {  	[dreg:$0x3] =	wrdreg s2  }
0xb1: {  	[dreg:$0x4] =	wrdreg s18  }
0xb2: {  	[dreg:$0x5] =	wrdreg $0x9  }
0xb3: {  	_ =	task.clear_ibuf [dreg:s8], $0x6FFFF;
	_ =	strace $0x90000046  }
0xb4: {  	s29 =	simm.s32 $0x9;
	_ =	strace $0x80000048  }
0xb5: {  	_ =	swait.ge [sflag:s29], $0x1  }
0xb6: {  	[sflag:s29] =	ssyncadd.s32 $0xFFFFFFFF  }
0xb7: {  	_ =	strace $0x90000048  }
0xb8: {  	_ =	sfence  }
0xb9: {  	s30 =	sld [smem:$0x0];
	_ =	sdelay $0x2  }
0xba: {  	s31 =	sshll.u32 s1, $0xD;
	s1 =	sshrl.u32 s1, $0x2  }
0xbb: {  	s3 =	sand.u32 $0x4000, s31;
	s1 =	sadd.s32 s1, s30  }
0xbc: {  	s0 =	sor.u32 s3, s0;
	s1 =	sshll.u32 s1, $0x11  }
0xbd: {  	s0 =	sor.u32 s1, s0  }
0xbe: {  	s0 =	sadd.s32 $0x8F2B, s0  }
0xbf: {  	[sflag:s0] =	ssyncadd.remote.s32 $0x1  }
0xc0: {  	_ =	sfence.sel $0xFFFF  }
0xc1: {  	[dreg:$0x0] =	wrdreg $0xFFFFFFFF;
	(pc) =	sbr.abs _section_cstart, $3  }
0xc2: {  	[dreg:$0x1] =	wrdreg $0xFFFFFFFF  }
0xc3: {  	_ =	task.clear_ibuf [dreg:s8], $0x2FFFF;
	_ =	strace $0x9FFFFFFF  }
0xc4: {  	(tm) =	ssettm $0x7FFFFFFF  }
0xc5: {  	_ =	shalt  }
tec
execute0_lowered:
.L_overlay_start_1:
0x0: {  	(tag) =	ssettag $0x1  }
0x1: {  	s0 =	rddreg [dreg:$0x0]  }
0x2: {  	s2 =	rddreg [dreg:$0x1];
	s1 =	srdreg.scid  }
0x3: {  	s4 =	stileid.u32;
	s3 =	rddreg [dreg:$0x2]  }
0x4: {  	s12 =	simm.s32 $0xB;
	s13 =	simm.s32 $0x50;
	s14 =	simm.s32 $0x11800  }
0x5: {  	s16 =	simm.s32 $0x14000;
	s18 =	simm.s32 $0x16800;
	s19 =	simm.s32 $0x1  }
0x6: {  	s20 =	simm.s32 $0x19000;
	s21 =	simm.s32 $0x2;
	s22 =	simm.s32 $0x1B800  }
0x7: {  	s23 =	simm.s32 $0x3;
	s24 =	simm.s32 $0x6;
	s28 =	simm.s32 $0x5  }
0x8: {  	s29 =	simm.s32 $0x8;
	s1 =	sand.u32 $0x1, s1;
	s5 =	sshll.u32 s4, $0x1  }
0x9: {  	s30 =	simm.s32 $0x9;
	s31 =	simm.s32 $0xA;
	s5 =	sor.u32 s1, s5  }
0xa: {  	s4 =	simm.s32 $0x0;
	s1 =	ssub.s32 $0x2, s1;
	s6 =	smul.u32 $0x1400, s5  }
0xb: {  	[smem:$0x7FF] =	sst s4;
	s7 =	sshrl.u32 s1, $0x1;
	s5 =	smul.u32 $0x6400, s5  }
.Ltmp0:
0xc: {  	_ =	strace $0x80000047;
	s25 =	ssub.s32 s1, s7;
	(pc) =	sbr.rel .LBB2_1-.Ltmp0, $4  }
0xd: {  	s1 =	simm.s32 $0x0;
	s6 =	sadd.s32 s6, s0;
	s0 =	sadd.s32 $0x28600, s0  }
0xe: {  	s8 =	sor.u32 $0x50, s5;
	[dreg:$0x4] =	wrdreg s0;
	s26 =	sadd.s32 $0x600, s6  }
0xf: {  	s9 =	sor.u32 $0xA0, s5;
	s0 =	smax.u32 s25, $0x1;
	[dreg:$0x5] =	wrdreg s26  }
0x10: {  	s25 =	simm.s32 $0x4;
	[dreg:$0x6] =	wrdreg s0;
	s26 =	simm.s32 $0x7  }
.LBB2_14:
0x11: {  	_ =	swait.ge [sflag:s30], $0x2800  }
0x12: {  	[sflag:s30] =	ssyncset.done $0x0  }
0x13: {  	[sflag:s30] =	ssyncadd.s32 $0xFFFFD800  }
0x14: {  	_ =	swait.ge [sflag:s31], $0x2800  }
0x15: {  	s1 =	sadd.s32 $0x1, s1;
	s0 =	rddreg [dreg:$0x6]  }
0x16: {  	p0 =	sne.s32 s1, s0  }
.Ltmp1:
0x17: {  	_ = 	snop;
	(pc) =	sbr.rel @!p0 .LBB2_15-.Ltmp1, $3  }
0x18: {  	_ =	sdelay $0x1  }
0x19: {  	[sflag:s31] =	ssyncset.done $0x0  }
0x1a: {  	[sflag:s31] =	ssyncadd.s32 $0xFFFFD800  }
.LBB2_1:
0x1b: {  	s0 =	rddreg [dreg:$0x4];
	s6 =	simm.s32 $0xA000  }
0x1c: {  	[tilespmem:s6], [sflag:$0xB] =	stream.linear.gather [hbm4b:s0+s4], $0x7800, $0x38;
	[tilespmem:$0x1E000] =	vst v63  }
0x1d: {  	_ =	swait.ge [sflag:s12], $0x7800  }
0x1e: {  	[sflag:s12] =	ssyncset.done $0x0  }
0x1f: {  	s11 =	rddreg [dreg:$0x5];
	[sflag:s12] =	ssyncadd.s32 $0xFFFF8800  }
0x20: {  	[tilespmem:s4], [sflag:$0xB] =	stream.linear.gather [hbm4b:s11+s4], $0xA000, $0x38;
	[tilespmem:$0x1E000] =	vst v63  }
0x21: {  	_ =	swait.ge [sflag:s12], $0xA000  }
0x22: {  	[sflag:s12] =	ssyncset.done $0x0  }
0x23: {  	[sflag:s12] =	ssyncadd.s32 $0xFFFF6000  }
0x24: {  	[tilespmem:s14], [sflag:$0x1] =	stream.indirect.gather [hbm4b:s2+s13], $0x80, s4, s13, $0xb8;
	[tilespmem:$0x1E000] =	vst v63  }
0x25: {  	s15 =	simm.s32 $0x80  }
0x26: {  	[tilespmem:s16], [sflag:$0x2] =	stream.indirect.gather [hbm4b:s2+s13], $0x80, s15, s13, $0xb8;
	[tilespmem:$0x1E000] =	vst v63  }
0x27: {  	s17 =	simm.s32 $0x100;
	s0 =	simm.s32 $0x0  }
0x28: {  	[tilespmem:s18], [sflag:$0x3] =	stream.indirect.gather [hbm4b:s2+s13], $0x80, s17, s13, $0xb8;
	[tilespmem:$0x1E000] =	vst v63  }
.LBB2_2:
0x29: {  	_ =	swait.ge [sflag:s19], $0x2800  }
0x2a: {  	[sflag:s19] =	ssyncset.done $0x0  }
0x2b: {  	s11 =	simm.s32 $0x0;
	s6 =	simm.s32 $0x400;
	[sflag:s19] =	ssyncadd.s32 $0xFFFFD800  }
.LBB2_3:
0x2c: {  	p0 =	sne.s32 s6, $0x9C00;
	v0 =	vld [tilespmem:s11+$0xA0F0]  }
0x2d: {  	v1 =	vld [tilespmem:s11+$0xA000]  }
0x2e: {  	v2 =	vld [tilespmem:s11+$0xA010]  }
0x2f: {  	v3 =	vld [tilespmem:s11+$0xA020]  }
0x30: {  	v4 =	vld [tilespmem:s11+$0xA030]  }
0x31: {  	[tilespmem:s11+$0x118F0] =	vst.add.f32.msk $0xffff, v0  }
0x32: {  	v0 =	vld [tilespmem:s11+$0xA040]  }
0x33: {  	v5 =	vld [tilespmem:s11+$0xA050]  }
0x34: {  	v6 =	vld [tilespmem:s11+$0xA060]  }
0x35: {  	v7 =	vld [tilespmem:s11+$0xA070]  }
0x36: {  	v8 =	vld [tilespmem:s11+$0xA080]  }
0x37: {  	v9 =	vld [tilespmem:s11+$0xA090]  }
0x38: {  	v10 =	vld [tilespmem:s11+$0xA0A0]  }
0x39: {  	v11 =	vld [tilespmem:s11+$0xA0B0]  }
0x3a: {  	v12 =	vld [tilespmem:s11+$0xA0C0]  }
0x3b: {  	v13 =	vld [tilespmem:s11+$0xA0D0]  }
0x3c: {  	v14 =	vld [tilespmem:s11+$0xA0E0]  }
0x3d: {  	[tilespmem:s11+$0x11800] =	vst.add.f32.msk $0xffff, v1  }
0x3e: {  	[tilespmem:s11+$0x11810] =	vst.add.f32.msk $0xffff, v2  }
0x3f: {  	[tilespmem:s11+$0x11820] =	vst.add.f32.msk $0xffff, v3  }
0x40: {  	[tilespmem:s11+$0x11830] =	vst.add.f32.msk $0xffff, v4  }
0x41: {  	[tilespmem:s11+$0x11840] =	vst.add.f32.msk $0xffff, v0  }
0x42: {  	[tilespmem:s11+$0x11850] =	vst.add.f32.msk $0xffff, v5  }
0x43: {  	[tilespmem:s11+$0x11860] =	vst.add.f32.msk $0xffff, v6  }
0x44: {  	[tilespmem:s11+$0x11870] =	vst.add.f32.msk $0xffff, v7  }
0x45: {  	[tilespmem:s11+$0x11880] =	vst.add.f32.msk $0xffff, v8  }
0x46: {  	[tilespmem:s11+$0x11890] =	vst.add.f32.msk $0xffff, v9  }
.Ltmp2:
0x47: {  	[tilespmem:s11+$0x118A0] =	vst.add.f32.msk $0xffff, v10;
	(pc) =	sbr.rel @p0 .LBB2_3-.Ltmp2, $4  }
0x48: {  	[tilespmem:s11+$0x118B0] =	vst.add.f32.msk $0xffff, v11  }
0x49: {  	[tilespmem:s11+$0x118C0] =	vst.add.f32.msk $0xffff, v12  }
0x4a: {  	[tilespmem:s11+$0x118D0] =	vst.add.f32.msk $0xffff, v13  }
0x4b: {  	[tilespmem:s11+$0x118E0] =	vst.add.f32.msk $0xffff, v14;
	s11 =	sshra.s32 s6, $0x2;
	s6 =	sadd.s32 $0x400, s6  }
0x4c: {  	v0 =	vld [tilespmem:s11+$0xA0F0]  }
0x4d: {  	v1 =	vld [tilespmem:s11+$0xA000]  }
0x4e: {  	v2 =	vld [tilespmem:s11+$0xA010]  }
0x4f: {  	v3 =	vld [tilespmem:s11+$0xA020]  }
0x50: {  	v4 =	vld [tilespmem:s11+$0xA030]  }
0x51: {  	v63 =	vld [tilespmem:s11+$0xA040]  }
0x52: {  	v5 =	vld [tilespmem:s11+$0xA050]  }
0x53: {  	v6 =	vld [tilespmem:s11+$0xA060]  }
0x54: {  	v7 =	vld [tilespmem:s11+$0xA070]  }
0x55: {  	v8 =	vld [tilespmem:s11+$0xA080]  }
0x56: {  	v9 =	vld [tilespmem:s11+$0xA090]  }
0x57: {  	v10 =	vld [tilespmem:s11+$0xA0A0]  }
0x58: {  	v11 =	vld [tilespmem:s11+$0xA0B0]  }
0x59: {  	v12 =	vld [tilespmem:s11+$0xA0C0]  }
0x5a: {  	v13 =	vld [tilespmem:s11+$0xA0D0]  }
0x5b: {  	v14 =	vld [tilespmem:s11+$0xA0E0]  }
0x5c: {  	[tilespmem:s11+$0x118F0] =	vst.add.f32.msk $0xffff, v0  }
0x5d: {  	[tilespmem:s11+$0x11800] =	vst.add.f32.msk $0xffff, v1  }
0x5e: {  	[tilespmem:s11+$0x11810] =	vst.add.f32.msk $0xffff, v2  }
0x5f: {  	[tilespmem:s11+$0x11820] =	vst.add.f32.msk $0xffff, v3  }
0x60: {  	[tilespmem:s11+$0x11830] =	vst.add.f32.msk $0xffff, v4  }
0x61: {  	[tilespmem:s11+$0x11840] =	vst.add.f32.msk $0xffff, v63  }
0x62: {  	[tilespmem:s11+$0x11850] =	vst.add.f32.msk $0xffff, v5  }
0x63: {  	[tilespmem:s11+$0x11860] =	vst.add.f32.msk $0xffff, v6  }
0x64: {  	[tilespmem:s11+$0x11870] =	vst.add.f32.msk $0xffff, v7  }
0x65: {  	[tilespmem:s11+$0x11880] =	vst.add.f32.msk $0xffff, v8  }
0x66: {  	[tilespmem:s11+$0x11890] =	vst.add.f32.msk $0xffff, v9  }
0x67: {  	s17 =	smul.u32 $0x190, s0;
	[tilespmem:s11+$0x118A0] =	vst.add.f32.msk $0xffff, v10  }
0x68: {  	[tilespmem:s11+$0x118B0] =	vst.add.f32.msk $0xffff, v11  }
0x69: {  	s6 =	sadd.s32 s5, s17;
	[tilespmem:s11+$0x118C0] =	vst.add.f32.msk $0xffff, v12  }
0x6a: {  	s6 =	sshll.u32 s6, $0x4;
	[tilespmem:s11+$0x118D0] =	vst.add.f32.msk $0xffff, v13  }
0x6b: {  	s15 =	smul.u32 $0x5, s0;
	p0 =	seq.s32 s0, $0x0;
	s6 =	sadd.s32 s3, s6;
	[tilespmem:s11+$0x118E0] =	vst.add.f32.msk $0xffff, v14  }
0x6c: {  	[hbm4b:s6+s4] =	stream.linear.scatter [tilespmem:s14], [sflag:$0x6], $0x2800, $0x38;
	[tilespmem:$0x1E000] =	vst v63  }
0x6d: {  	s6 =	simm.s32 @!p0 $0x9  }
0x6e: {  	s11 =	sadd.s32 $0x3, s15;
	_ =	swait.ge @!p0 [sflag:s6], $0x2800  }
0x6f: {  	s7 =	sshll.u32 s11, $0x7;
	[sflag:s6] =	ssyncset.done @!p0 $0x0  }
0x70: {  	s10 =	sand.u32 $0x3FFFFF80, s7;
	[sflag:s6] =	ssyncadd.s32 @!p0 $0xFFFFD800  }
0x71: {  	[tilespmem:s20], [sflag:$0x4] =	stream.indirect.gather [hbm4b:s2+s13], $0x80, s10, s13, $0xb8;
	[tilespmem:$0x1E000] =	vst v63  }
0x72: {  	_ =	swait.ge [sflag:s21], $0x2800  }
0x73: {  	[sflag:s21] =	ssyncset.done $0x0  }
0x74: {  	s7 =	simm.s32 $0x400;
	s6 =	simm.s32 $0x0;
	[sflag:s21] =	ssyncadd.s32 $0xFFFFD800  }
.LBB2_5:
0x75: {  	p1 =	sne.s32 s7, $0x9C00;
	v0 =	vld [tilespmem:s6+$0xC8F0]  }
0x76: {  	v1 =	vld [tilespmem:s6+$0xC800]  }
0x77: {  	v2 =	vld [tilespmem:s6+$0xC810]  }
0x78: {  	v3 =	vld [tilespmem:s6+$0xC820]  }
0x79: {  	v4 =	vld [tilespmem:s6+$0xC830]  }
0x7a: {  	[tilespmem:s6+$0x140F0] =	vst.add.f32.msk $0xffff, v0  }
0x7b: {  	v0 =	vld [tilespmem:s6+$0xC840]  }
0x7c: {  	v5 =	vld [tilespmem:s6+$0xC850]  }
0x7d: {  	v6 =	vld [tilespmem:s6+$0xC860]  }
0x7e: {  	v7 =	vld [tilespmem:s6+$0xC870]  }
0x7f: {  	v8 =	vld [tilespmem:s6+$0xC880]  }
0x80: {  	v9 =	vld [tilespmem:s6+$0xC890]  }
0x81: {  	v10 =	vld [tilespmem:s6+$0xC8A0]  }
0x82: {  	v11 =	vld [tilespmem:s6+$0xC8B0]  }
0x83: {  	v12 =	vld [tilespmem:s6+$0xC8C0]  }
0x84: {  	v13 =	vld [tilespmem:s6+$0xC8D0]  }
0x85: {  	v14 =	vld [tilespmem:s6+$0xC8E0]  }
0x86: {  	[tilespmem:s6+$0x14000] =	vst.add.f32.msk $0xffff, v1  }
0x87: {  	[tilespmem:s6+$0x14010] =	vst.add.f32.msk $0xffff, v2  }
0x88: {  	[tilespmem:s6+$0x14020] =	vst.add.f32.msk $0xffff, v3  }
0x89: {  	[tilespmem:s6+$0x14030] =	vst.add.f32.msk $0xffff, v4  }
0x8a: {  	[tilespmem:s6+$0x14040] =	vst.add.f32.msk $0xffff, v0  }
0x8b: {  	[tilespmem:s6+$0x14050] =	vst.add.f32.msk $0xffff, v5  }
0x8c: {  	[tilespmem:s6+$0x14060] =	vst.add.f32.msk $0xffff, v6  }
0x8d: {  	[tilespmem:s6+$0x14070] =	vst.add.f32.msk $0xffff, v7  }
0x8e: {  	[tilespmem:s6+$0x14080] =	vst.add.f32.msk $0xffff, v8  }
0x8f: {  	[tilespmem:s6+$0x14090] =	vst.add.f32.msk $0xffff, v9  }
.Ltmp3:
0x90: {  	[tilespmem:s6+$0x140A0] =	vst.add.f32.msk $0xffff, v10;
	(pc) =	sbr.rel @p1 .LBB2_5-.Ltmp3, $4  }
0x91: {  	[tilespmem:s6+$0x140B0] =	vst.add.f32.msk $0xffff, v11  }
0x92: {  	[tilespmem:s6+$0x140C0] =	vst.add.f32.msk $0xffff, v12  }
0x93: {  	[tilespmem:s6+$0x140D0] =	vst.add.f32.msk $0xffff, v13  }
0x94: {  	[tilespmem:s6+$0x140E0] =	vst.add.f32.msk $0xffff, v14;
	s6 =	sshra.s32 s7, $0x2;
	s7 =	sadd.s32 $0x400, s7  }
0x95: {  	v0 =	vld [tilespmem:s6+$0xC8F0]  }
0x96: {  	v1 =	vld [tilespmem:s6+$0xC800]  }
0x97: {  	v2 =	vld [tilespmem:s6+$0xC810]  }
0x98: {  	v3 =	vld [tilespmem:s6+$0xC820]  }
0x99: {  	v4 =	vld [tilespmem:s6+$0xC830]  }
0x9a: {  	v63 =	vld [tilespmem:s6+$0xC840]  }
0x9b: {  	v5 =	vld [tilespmem:s6+$0xC850]  }
0x9c: {  	v6 =	vld [tilespmem:s6+$0xC860]  }
0x9d: {  	v7 =	vld [tilespmem:s6+$0xC870]  }
0x9e: {  	v8 =	vld [tilespmem:s6+$0xC880]  }
0x9f: {  	v9 =	vld [tilespmem:s6+$0xC890]  }
0xa0: {  	v10 =	vld [tilespmem:s6+$0xC8A0]  }
0xa1: {  	v11 =	vld [tilespmem:s6+$0xC8B0]  }
0xa2: {  	v12 =	vld [tilespmem:s6+$0xC8C0]  }
0xa3: {  	v13 =	vld [tilespmem:s6+$0xC8D0]  }
0xa4: {  	v14 =	vld [tilespmem:s6+$0xC8E0]  }
0xa5: {  	[tilespmem:s6+$0x140F0] =	vst.add.f32.msk $0xffff, v0  }
0xa6: {  	[tilespmem:s6+$0x14000] =	vst.add.f32.msk $0xffff, v1  }
0xa7: {  	[tilespmem:s6+$0x14010] =	vst.add.f32.msk $0xffff, v2  }
0xa8: {  	[tilespmem:s6+$0x14020] =	vst.add.f32.msk $0xffff, v3  }
0xa9: {  	[tilespmem:s6+$0x14030] =	vst.add.f32.msk $0xffff, v4  }
0xaa: {  	[tilespmem:s6+$0x14040] =	vst.add.f32.msk $0xffff, v63  }
0xab: {  	[tilespmem:s6+$0x14050] =	vst.add.f32.msk $0xffff, v5  }
0xac: {  	[tilespmem:s6+$0x14060] =	vst.add.f32.msk $0xffff, v6  }
0xad: {  	[tilespmem:s6+$0x14070] =	vst.add.f32.msk $0xffff, v7  }
0xae: {  	[tilespmem:s6+$0x14080] =	vst.add.f32.msk $0xffff, v8  }
0xaf: {  	[tilespmem:s6+$0x14090] =	vst.add.f32.msk $0xffff, v9  }
0xb0: {  	[tilespmem:s6+$0x140A0] =	vst.add.f32.msk $0xffff, v10  }
0xb1: {  	[tilespmem:s6+$0x140B0] =	vst.add.f32.msk $0xffff, v11  }
0xb2: {  	s7 =	sadd.s32 s17, s8;
	[tilespmem:s6+$0x140C0] =	vst.add.f32.msk $0xffff, v12  }
0xb3: {  	s7 =	sshll.u32 s7, $0x4;
	[tilespmem:s6+$0x140D0] =	vst.add.f32.msk $0xffff, v13  }
0xb4: {  	s7 =	sadd.s32 s3, s7;
	[tilespmem:s6+$0x140E0] =	vst.add.f32.msk $0xffff, v14;
	s6 =	simm.s32 @!p0 $0xA  }
0xb5: {  	[hbm4b:s7+s4] =	stream.linear.scatter [tilespmem:s16], [sflag:$0x7], $0x2800, $0x38;
	[tilespmem:$0x1E000] =	vst v63  }
0xb6: {  	s15 =	sadd.s32 $0x4, s15;
	_ =	swait.ge @!p0 [sflag:s6], $0x2800  }
0xb7: {  	s10 =	sshll.u32 s15, $0x7;
	[sflag:s6] =	ssyncset.done @!p0 $0x0  }
0xb8: {  	s10 =	sand.u32 $0x3FFFFF80, s10;
	[sflag:s6] =	ssyncadd.s32 @!p0 $0xFFFFD800  }
0xb9: {  	[tilespmem:s22], [sflag:$0x5] =	stream.indirect.gather [hbm4b:s2+s13], $0x80, s10, s13, $0xb8;
	[tilespmem:$0x1E000] =	vst v63  }
0xba: {  	_ =	swait.ge [sflag:s23], $0x2800  }
0xbb: {  	[sflag:s23] =	ssyncset.done $0x0  }
0xbc: {  	s7 =	simm.s32 $0x400;
	s6 =	simm.s32 $0x0;
	[sflag:s23] =	ssyncadd.s32 $0xFFFFD800  }
.LBB2_7:
0xbd: {  	p0 =	sne.s32 s7, $0x9C00;
	v0 =	vld [tilespmem:s6+$0xF0F0]  }
0xbe: {  	v1 =	vld [tilespmem:s6+$0xF000]  }
0xbf: {  	v2 =	vld [tilespmem:s6+$0xF010]  }
0xc0: {  	v3 =	vld [tilespmem:s6+$0xF020]  }
0xc1: {  	v4 =	vld [tilespmem:s6+$0xF030]  }
0xc2: {  	[tilespmem:s6+$0x168F0] =	vst.add.f32.msk $0xffff, v0  }
0xc3: {  	v0 =	vld [tilespmem:s6+$0xF040]  }
0xc4: {  	v5 =	vld [tilespmem:s6+$0xF050]  }
0xc5: {  	v6 =	vld [tilespmem:s6+$0xF060]  }
0xc6: {  	v7 =	vld [tilespmem:s6+$0xF070]  }
0xc7: {  	v8 =	vld [tilespmem:s6+$0xF080]  }
0xc8: {  	v9 =	vld [tilespmem:s6+$0xF090]  }
0xc9: {  	v10 =	vld [tilespmem:s6+$0xF0A0]  }
0xca: {  	v11 =	vld [tilespmem:s6+$0xF0B0]  }
0xcb: {  	v12 =	vld [tilespmem:s6+$0xF0C0]  }
0xcc: {  	v13 =	vld [tilespmem:s6+$0xF0D0]  }
0xcd: {  	v14 =	vld [tilespmem:s6+$0xF0E0]  }
0xce: {  	[tilespmem:s6+$0x16800] =	vst.add.f32.msk $0xffff, v1  }
0xcf: {  	[tilespmem:s6+$0x16810] =	vst.add.f32.msk $0xffff, v2  }
0xd0: {  	[tilespmem:s6+$0x16820] =	vst.add.f32.msk $0xffff, v3  }
0xd1: {  	[tilespmem:s6+$0x16830] =	vst.add.f32.msk $0xffff, v4  }
0xd2: {  	[tilespmem:s6+$0x16840] =	vst.add.f32.msk $0xffff, v0  }
0xd3: {  	[tilespmem:s6+$0x16850] =	vst.add.f32.msk $0xffff, v5  }
0xd4: {  	[tilespmem:s6+$0x16860] =	vst.add.f32.msk $0xffff, v6  }
0xd5: {  	[tilespmem:s6+$0x16870] =	vst.add.f32.msk $0xffff, v7  }
0xd6: {  	[tilespmem:s6+$0x16880] =	vst.add.f32.msk $0xffff, v8  }
0xd7: {  	[tilespmem:s6+$0x16890] =	vst.add.f32.msk $0xffff, v9  }
.Ltmp4:
0xd8: {  	[tilespmem:s6+$0x168A0] =	vst.add.f32.msk $0xffff, v10;
	(pc) =	sbr.rel @p0 .LBB2_7-.Ltmp4, $4  }
0xd9: {  	[tilespmem:s6+$0x168B0] =	vst.add.f32.msk $0xffff, v11  }
0xda: {  	[tilespmem:s6+$0x168C0] =	vst.add.f32.msk $0xffff, v12  }
0xdb: {  	[tilespmem:s6+$0x168D0] =	vst.add.f32.msk $0xffff, v13  }
0xdc: {  	[tilespmem:s6+$0x168E0] =	vst.add.f32.msk $0xffff, v14;
	s6 =	sshra.s32 s7, $0x2;
	s7 =	sadd.s32 $0x400, s7  }
0xdd: {  	v0 =	vld [tilespmem:s6+$0xF0F0]  }
0xde: {  	v1 =	vld [tilespmem:s6+$0xF000]  }
0xdf: {  	v2 =	vld [tilespmem:s6+$0xF010]  }
0xe0: {  	v3 =	vld [tilespmem:s6+$0xF020]  }
0xe1: {  	v4 =	vld [tilespmem:s6+$0xF030]  }
0xe2: {  	v63 =	vld [tilespmem:s6+$0xF040]  }
0xe3: {  	v5 =	vld [tilespmem:s6+$0xF050]  }
0xe4: {  	v6 =	vld [tilespmem:s6+$0xF060]  }
0xe5: {  	v7 =	vld [tilespmem:s6+$0xF070]  }
0xe6: {  	v8 =	vld [tilespmem:s6+$0xF080]  }
0xe7: {  	v9 =	vld [tilespmem:s6+$0xF090]  }
0xe8: {  	v10 =	vld [tilespmem:s6+$0xF0A0]  }
0xe9: {  	v11 =	vld [tilespmem:s6+$0xF0B0]  }
0xea: {  	v12 =	vld [tilespmem:s6+$0xF0C0]  }
0xeb: {  	v13 =	vld [tilespmem:s6+$0xF0D0]  }
0xec: {  	v14 =	vld [tilespmem:s6+$0xF0E0]  }
0xed: {  	[tilespmem:s6+$0x168F0] =	vst.add.f32.msk $0xffff, v0  }
0xee: {  	[tilespmem:s6+$0x16800] =	vst.add.f32.msk $0xffff, v1  }
0xef: {  	[tilespmem:s6+$0x16810] =	vst.add.f32.msk $0xffff, v2  }
0xf0: {  	[tilespmem:s6+$0x16820] =	vst.add.f32.msk $0xffff, v3  }
0xf1: {  	[tilespmem:s6+$0x16830] =	vst.add.f32.msk $0xffff, v4  }
0xf2: {  	[tilespmem:s6+$0x16840] =	vst.add.f32.msk $0xffff, v63  }
0xf3: {  	[tilespmem:s6+$0x16850] =	vst.add.f32.msk $0xffff, v5  }
0xf4: {  	[tilespmem:s6+$0x16860] =	vst.add.f32.msk $0xffff, v6  }
0xf5: {  	[tilespmem:s6+$0x16870] =	vst.add.f32.msk $0xffff, v7  }
0xf6: {  	[tilespmem:s6+$0x16880] =	vst.add.f32.msk $0xffff, v8  }
0xf7: {  	[tilespmem:s6+$0x16890] =	vst.add.f32.msk $0xffff, v9  }
0xf8: {  	[tilespmem:s6+$0x168A0] =	vst.add.f32.msk $0xffff, v10  }
0xf9: {  	[tilespmem:s6+$0x168B0] =	vst.add.f32.msk $0xffff, v11  }
0xfa: {  	s7 =	sadd.s32 s17, s9;
	[tilespmem:s6+$0x168C0] =	vst.add.f32.msk $0xffff, v12  }
0xfb: {  	p0 =	seq.s32 s0, $0x3F;
	s7 =	sshll.u32 s7, $0x4;
	[tilespmem:s6+$0x168D0] =	vst.add.f32.msk $0xffff, v13  }
0xfc: {  	s17 =	sadd.s32 s3, s7;
	[tilespmem:s6+$0x168E0] =	vst.add.f32.msk $0xffff, v14;
	s6 =	smul.u32 @!p0 $0xA00, s0  }
0xfd: {  	[hbm4b:s17+s4] =	stream.linear.scatter [tilespmem:s18], [sflag:$0x8], $0x2800, $0x38;
	[tilespmem:$0x1E000] =	vst v63  }
0xfe: {  	_ =	swait.ge [sflag:s24], $0x2800  }
0xff: {  	s10 =	simm.s32 @!p0 $0x11800;
	s17 =	sshra.s32 @!p0 s6, $0x2;
	[sflag:s24] =	ssyncset.done $0x0  }
0x100: {  	s7 =	simm.s32 @!p0 $0x50;
	s6 =	sadd.s32 @!p0 $0x280, s17;
	[sflag:s24] =	ssyncadd.s32 $0xFFFFD800  }
0x101: {  	[tilespmem:s10], [sflag:$0x1] =	stream.indirect.gather @!p0 [hbm4b:s2+s7], $0x80, s6, s7, $0xb8;
	[tilespmem:$0x1E000] =	vst v63  }
0x102: {  	_ =	swait.ge [sflag:s25], $0x2800  }
0x103: {  	[sflag:s25] =	ssyncset.done $0x0  }
0x104: {  	s6 =	simm.s32 $0x0;
	s7 =	simm.s32 $0x400;
	[sflag:s25] =	ssyncadd.s32 $0xFFFFD800  }
.LBB2_9:
0x105: {  	p1 =	sne.s32 s7, $0x9C00;
	v0 =	vld [tilespmem:s6+$0xB4F0]  }
0x106: {  	v1 =	vld [tilespmem:s6+$0xB400]  }
0x107: {  	v2 =	vld [tilespmem:s6+$0xB410]  }
0x108: {  	v3 =	vld [tilespmem:s6+$0xB420]  }
0x109: {  	v4 =	vld [tilespmem:s6+$0xB430]  }
0x10a: {  	[tilespmem:s6+$0x190F0] =	vst.add.f32.msk $0xffff, v0  }
0x10b: {  	v0 =	vld [tilespmem:s6+$0xB440]  }
0x10c: {  	v5 =	vld [tilespmem:s6+$0xB450]  }
0x10d: {  	v6 =	vld [tilespmem:s6+$0xB460]  }
0x10e: {  	v7 =	vld [tilespmem:s6+$0xB470]  }
0x10f: {  	v8 =	vld [tilespmem:s6+$0xB480]  }
0x110: {  	v9 =	vld [tilespmem:s6+$0xB490]  }
0x111: {  	v10 =	vld [tilespmem:s6+$0xB4A0]  }
0x112: {  	v11 =	vld [tilespmem:s6+$0xB4B0]  }
0x113: {  	v12 =	vld [tilespmem:s6+$0xB4C0]  }
0x114: {  	v13 =	vld [tilespmem:s6+$0xB4D0]  }
0x115: {  	v14 =	vld [tilespmem:s6+$0xB4E0]  }
0x116: {  	[tilespmem:s6+$0x19000] =	vst.add.f32.msk $0xffff, v1  }
0x117: {  	[tilespmem:s6+$0x19010] =	vst.add.f32.msk $0xffff, v2  }
0x118: {  	[tilespmem:s6+$0x19020] =	vst.add.f32.msk $0xffff, v3  }
0x119: {  	[tilespmem:s6+$0x19030] =	vst.add.f32.msk $0xffff, v4  }
0x11a: {  	[tilespmem:s6+$0x19040] =	vst.add.f32.msk $0xffff, v0  }
0x11b: {  	[tilespmem:s6+$0x19050] =	vst.add.f32.msk $0xffff, v5  }
0x11c: {  	[tilespmem:s6+$0x19060] =	vst.add.f32.msk $0xffff, v6  }
0x11d: {  	[tilespmem:s6+$0x19070] =	vst.add.f32.msk $0xffff, v7  }
0x11e: {  	[tilespmem:s6+$0x19080] =	vst.add.f32.msk $0xffff, v8  }
0x11f: {  	[tilespmem:s6+$0x19090] =	vst.add.f32.msk $0xffff, v9  }
.Ltmp5:
0x120: {  	[tilespmem:s6+$0x190A0] =	vst.add.f32.msk $0xffff, v10;
	(pc) =	sbr.rel @p1 .LBB2_9-.Ltmp5, $4  }
0x121: {  	[tilespmem:s6+$0x190B0] =	vst.add.f32.msk $0xffff, v11  }
0x122: {  	[tilespmem:s6+$0x190C0] =	vst.add.f32.msk $0xffff, v12  }
0x123: {  	[tilespmem:s6+$0x190D0] =	vst.add.f32.msk $0xffff, v13  }
0x124: {  	[tilespmem:s6+$0x190E0] =	vst.add.f32.msk $0xffff, v14;
	s6 =	sshra.s32 s7, $0x2;
	s7 =	sadd.s32 $0x400, s7  }
0x125: {  	v0 =	vld [tilespmem:s6+$0xB4F0]  }
0x126: {  	v1 =	vld [tilespmem:s6+$0xB400]  }
0x127: {  	v2 =	vld [tilespmem:s6+$0xB410]  }
0x128: {  	v3 =	vld [tilespmem:s6+$0xB420]  }
0x129: {  	v4 =	vld [tilespmem:s6+$0xB430]  }
0x12a: {  	v63 =	vld [tilespmem:s6+$0xB440]  }
0x12b: {  	v5 =	vld [tilespmem:s6+$0xB450]  }
0x12c: {  	v6 =	vld [tilespmem:s6+$0xB460]  }
0x12d: {  	v7 =	vld [tilespmem:s6+$0xB470]  }
0x12e: {  	v8 =	vld [tilespmem:s6+$0xB480]  }
0x12f: {  	v9 =	vld [tilespmem:s6+$0xB490]  }
0x130: {  	v10 =	vld [tilespmem:s6+$0xB4A0]  }
0x131: {  	v11 =	vld [tilespmem:s6+$0xB4B0]  }
0x132: {  	v12 =	vld [tilespmem:s6+$0xB4C0]  }
0x133: {  	v13 =	vld [tilespmem:s6+$0xB4D0]  }
0x134: {  	v14 =	vld [tilespmem:s6+$0xB4E0]  }
0x135: {  	[tilespmem:s6+$0x190F0] =	vst.add.f32.msk $0xffff, v0  }
0x136: {  	[tilespmem:s6+$0x19000] =	vst.add.f32.msk $0xffff, v1  }
0x137: {  	[tilespmem:s6+$0x19010] =	vst.add.f32.msk $0xffff, v2  }
0x138: {  	[tilespmem:s6+$0x19020] =	vst.add.f32.msk $0xffff, v3  }
0x139: {  	[tilespmem:s6+$0x19030] =	vst.add.f32.msk $0xffff, v4  }
0x13a: {  	[tilespmem:s6+$0x19040] =	vst.add.f32.msk $0xffff, v63  }
0x13b: {  	[tilespmem:s6+$0x19050] =	vst.add.f32.msk $0xffff, v5  }
0x13c: {  	[tilespmem:s6+$0x19060] =	vst.add.f32.msk $0xffff, v6  }
0x13d: {  	[tilespmem:s6+$0x19070] =	vst.add.f32.msk $0xffff, v7  }
0x13e: {  	[tilespmem:s6+$0x19080] =	vst.add.f32.msk $0xffff, v8  }
0x13f: {  	[tilespmem:s6+$0x19090] =	vst.add.f32.msk $0xffff, v9  }
0x140: {  	s7 =	smul.u32 $0x50, s11;
	[tilespmem:s6+$0x190A0] =	vst.add.f32.msk $0xffff, v10  }
0x141: {  	[tilespmem:s6+$0x190B0] =	vst.add.f32.msk $0xffff, v11  }
0x142: {  	s7 =	sadd.s32 s5, s7;
	[tilespmem:s6+$0x190C0] =	vst.add.f32.msk $0xffff, v12  }
0x143: {  	s7 =	sshll.u32 s7, $0x4;
	[tilespmem:s6+$0x190D0] =	vst.add.f32.msk $0xffff, v13  }
0x144: {  	s11 =	sadd.s32 s3, s7;
	[tilespmem:s6+$0x190E0] =	vst.add.f32.msk $0xffff, v14  }
0x145: {  	[hbm4b:s11+s4] =	stream.linear.scatter [tilespmem:s20], [sflag:$0x9], $0x2800, $0x38;
	[tilespmem:$0x1E000] =	vst v63  }
0x146: {  	_ =	swait.ge [sflag:s26], $0x2800  }
0x147: {  	s10 =	simm.s32 @!p0 $0x14000;
	[sflag:s26] =	ssyncset.done $0x0  }
0x148: {  	s7 =	simm.s32 @!p0 $0x50;
	s6 =	sadd.s32 @!p0 $0x300, s17;
	[sflag:s26] =	ssyncadd.s32 $0xFFFFD800  }
0x149: {  	[tilespmem:s10], [sflag:$0x2] =	stream.indirect.gather @!p0 [hbm4b:s2+s7], $0x80, s6, s7, $0xb8;
	[tilespmem:$0x1E000] =	vst v63  }
0x14a: {  	_ =	swait.ge [sflag:s28], $0x2800  }
0x14b: {  	[sflag:s28] =	ssyncset.done $0x0  }
0x14c: {  	s6 =	simm.s32 $0x0;
	s7 =	simm.s32 $0x400;
	[sflag:s28] =	ssyncadd.s32 $0xFFFFD800  }
.LBB2_11:
0x14d: {  	p1 =	sne.s32 s7, $0x9C00;
	v0 =	vld [tilespmem:s6+$0xDCF0]  }
0x14e: {  	v1 =	vld [tilespmem:s6+$0xDC00]  }
0x14f: {  	v2 =	vld [tilespmem:s6+$0xDC10]  }
0x150: {  	v3 =	vld [tilespmem:s6+$0xDC20]  }
0x151: {  	v4 =	vld [tilespmem:s6+$0xDC30]  }
0x152: {  	[tilespmem:s6+$0x1B8F0] =	vst.add.f32.msk $0xffff, v0  }
0x153: {  	v0 =	vld [tilespmem:s6+$0xDC40]  }
0x154: {  	v5 =	vld [tilespmem:s6+$0xDC50]  }
0x155: {  	v6 =	vld [tilespmem:s6+$0xDC60]  }
0x156: {  	v7 =	vld [tilespmem:s6+$0xDC70]  }
0x157: {  	v8 =	vld [tilespmem:s6+$0xDC80]  }
0x158: {  	v9 =	vld [tilespmem:s6+$0xDC90]  }
0x159: {  	v10 =	vld [tilespmem:s6+$0xDCA0]  }
0x15a: {  	v11 =	vld [tilespmem:s6+$0xDCB0]  }
0x15b: {  	v12 =	vld [tilespmem:s6+$0xDCC0]  }
0x15c: {  	v13 =	vld [tilespmem:s6+$0xDCD0]  }
0x15d: {  	v14 =	vld [tilespmem:s6+$0xDCE0]  }
0x15e: {  	[tilespmem:s6+$0x1B800] =	vst.add.f32.msk $0xffff, v1  }
0x15f: {  	[tilespmem:s6+$0x1B810] =	vst.add.f32.msk $0xffff, v2  }
0x160: {  	[tilespmem:s6+$0x1B820] =	vst.add.f32.msk $0xffff, v3  }
0x161: {  	[tilespmem:s6+$0x1B830] =	vst.add.f32.msk $0xffff, v4  }
0x162: {  	[tilespmem:s6+$0x1B840] =	vst.add.f32.msk $0xffff, v0  }
0x163: {  	[tilespmem:s6+$0x1B850] =	vst.add.f32.msk $0xffff, v5  }
0x164: {  	[tilespmem:s6+$0x1B860] =	vst.add.f32.msk $0xffff, v6  }
0x165: {  	[tilespmem:s6+$0x1B870] =	vst.add.f32.msk $0xffff, v7  }
0x166: {  	[tilespmem:s6+$0x1B880] =	vst.add.f32.msk $0xffff, v8  }
0x167: {  	[tilespmem:s6+$0x1B890] =	vst.add.f32.msk $0xffff, v9  }
.Ltmp6:
0x168: {  	[tilespmem:s6+$0x1B8A0] =	vst.add.f32.msk $0xffff, v10;
	(pc) =	sbr.rel @p1 .LBB2_11-.Ltmp6, $4  }
0x169: {  	[tilespmem:s6+$0x1B8B0] =	vst.add.f32.msk $0xffff, v11  }
0x16a: {  	[tilespmem:s6+$0x1B8C0] =	vst.add.f32.msk $0xffff, v12  }
0x16b: {  	[tilespmem:s6+$0x1B8D0] =	vst.add.f32.msk $0xffff, v13  }
0x16c: {  	[tilespmem:s6+$0x1B8E0] =	vst.add.f32.msk $0xffff, v14;
	s6 =	sshra.s32 s7, $0x2;
	s7 =	sadd.s32 $0x400, s7  }
0x16d: {  	v0 =	vld [tilespmem:s6+$0xDCF0]  }
0x16e: {  	v1 =	vld [tilespmem:s6+$0xDC00]  }
0x16f: {  	v2 =	vld [tilespmem:s6+$0xDC10]  }
0x170: {  	v3 =	vld [tilespmem:s6+$0xDC20]  }
0x171: {  	v4 =	vld [tilespmem:s6+$0xDC30]  }
0x172: {  	v63 =	vld [tilespmem:s6+$0xDC40]  }
0x173: {  	v5 =	vld [tilespmem:s6+$0xDC50]  }
0x174: {  	v6 =	vld [tilespmem:s6+$0xDC60]  }
0x175: {  	v7 =	vld [tilespmem:s6+$0xDC70]  }
0x176: {  	v8 =	vld [tilespmem:s6+$0xDC80]  }
0x177: {  	v9 =	vld [tilespmem:s6+$0xDC90]  }
0x178: {  	v10 =	vld [tilespmem:s6+$0xDCA0]  }
0x179: {  	v11 =	vld [tilespmem:s6+$0xDCB0]  }
0x17a: {  	v12 =	vld [tilespmem:s6+$0xDCC0]  }
0x17b: {  	v13 =	vld [tilespmem:s6+$0xDCD0]  }
0x17c: {  	v14 =	vld [tilespmem:s6+$0xDCE0]  }
0x17d: {  	[tilespmem:s6+$0x1B8F0] =	vst.add.f32.msk $0xffff, v0  }
0x17e: {  	[tilespmem:s6+$0x1B800] =	vst.add.f32.msk $0xffff, v1  }
0x17f: {  	[tilespmem:s6+$0x1B810] =	vst.add.f32.msk $0xffff, v2  }
0x180: {  	[tilespmem:s6+$0x1B820] =	vst.add.f32.msk $0xffff, v3  }
0x181: {  	[tilespmem:s6+$0x1B830] =	vst.add.f32.msk $0xffff, v4  }
0x182: {  	[tilespmem:s6+$0x1B840] =	vst.add.f32.msk $0xffff, v63  }
0x183: {  	[tilespmem:s6+$0x1B850] =	vst.add.f32.msk $0xffff, v5  }
0x184: {  	[tilespmem:s6+$0x1B860] =	vst.add.f32.msk $0xffff, v6  }
0x185: {  	[tilespmem:s6+$0x1B870] =	vst.add.f32.msk $0xffff, v7  }
0x186: {  	[tilespmem:s6+$0x1B880] =	vst.add.f32.msk $0xffff, v8  }
0x187: {  	[tilespmem:s6+$0x1B890] =	vst.add.f32.msk $0xffff, v9  }
0x188: {  	s7 =	smul.u32 $0x50, s15;
	[tilespmem:s6+$0x1B8A0] =	vst.add.f32.msk $0xffff, v10  }
0x189: {  	[tilespmem:s6+$0x1B8B0] =	vst.add.f32.msk $0xffff, v11  }
0x18a: {  	s7 =	sadd.s32 s5, s7;
	[tilespmem:s6+$0x1B8C0] =	vst.add.f32.msk $0xffff, v12  }
0x18b: {  	s7 =	sshll.u32 s7, $0x4;
	[tilespmem:s6+$0x1B8D0] =	vst.add.f32.msk $0xffff, v13  }
.Ltmp7:
0x18c: {  	s17 =	sadd.s32 s3, s7;
	[tilespmem:s6+$0x1B8E0] =	vst.add.f32.msk $0xffff, v14;
	(pc) =	sbr.rel @p0 .LBB2_14-.Ltmp7, $4  }
0x18d: {  	[hbm4b:s17+s4] =	stream.linear.scatter [tilespmem:s22], [sflag:$0xA], $0x2800, $0x38;
	[tilespmem:$0x1E000] =	vst v63  }
0x18e: {  	_ =	swait.ge [sflag:s29], $0x2800  }
0x18f: {  	[sflag:s29] =	ssyncset.done $0x0  }
0x190: {  	[sflag:s29] =	ssyncadd.s32 $0xFFFFD800  }
0x191: {  	s6 =	smul.u32 $0xA00, s0  }
.Ltmp8:
0x192: {  	_ = 	snop;
	(pc) =	sbr.rel .LBB2_2-.Ltmp8, $4  }
0x193: {  	_ = 	snop  }
0x194: {  	s6 =	sshra.s32 s6, $0x2  }
0x195: {  	s0 =	sadd.s32 $0x1, s0;
	s6 =	sadd.s32 $0x380, s6  }
0x196: {  	[tilespmem:s18], [sflag:$0x3] =	stream.indirect.gather [hbm4b:s2+s13], $0x80, s6, s13, $0xb8;
	[tilespmem:$0x1E000] =	vst v63  }
.LBB2_15:
0x197: {  	_ =	sfence.sel $0x180000  }
0x198: {  	[bflag:$0x0] =	sbarrier.arrive $0xFFFF  }
0x199: {  	_ =	strace $0x90000047  }
0x19a: {  	s0 =	stileid.u32;
	[bflag:$0x2] =	sbarrier.arrive $0xFFFF  }
0x19b: {  	p0 =	sne.s32 s0, $0x0;
	s0 =	rddreg [dreg:$0x3]  }
0x19c: {  	s0 =	sadd.s32 @!p0 $0x100000, s0  }
0x19d: {  	[sflag:s0] =	ssyncadd.tile.s32 @!p0 $0x1;
	_ =	shalt  }
.Lfunc_end2:
_tile_overlayer_lowered:
.L_overlay_start_2:
0x19e: {  	(tag) =	ssettag $0x2  }
0x19f: {  	s0 =	rddreg [dreg:$0x0];
	s2 =	stileid.u32  }
0x1a0: {  	s1 =	rddreg [dreg:$0x1];
	p0 =	sne.s32 s2, $0x0  }
0x1a1: {  	s3 =	rddreg [dreg:$0x2];
	[bflag:$0x3] =	sbarrier.arrive $0xFFFF;
	s2 =	simm.s32 @!p0 $0x1C0B  }
0x1a2: {  	[timem:s3], [sflag:s2] =	dma.local @!p0 [hbm:s0], s1  }
0x1a3: {  	s0 =	simm.s32 @!p0 $0xB  }
0x1a4: {  	_ =	swait.ge @!p0 [sflag:s0], s1  }
0x1a5: {  	s1 =	ssub.s32 @!p0 $0x0, s1;
	[sflag:s0] =	ssyncset.done @!p0 $0x0  }
0x1a6: {  	[sflag:s0] =	ssyncadd.s32 @!p0 s1  }
0x1a7: {  	[bflag:$0x3] =	sbarrier.arrive $0xFFFF  }
0x1a8: {  	_ =	shalt  }

</sc_bundles>
